<compile_context>
chip_gen: v7x
topology: tpu7x:2x2x1
jax: 0.10.2.dev20260603
libtpu: 0.0.44.dev20260713+nightly
codegen_flags: <defaults>
</compile_context>

<pallas_src>
import functools

import jax
import jax.numpy as jnp
from jax import lax
from jax.experimental import pallas as pl
from jax.experimental.pallas import tpu as pltpu
from jax.experimental.pallas import tpu_sc as plsc

_BT = 128
_CH = 256


def _plan_body(t_pad, g_tiles, x_ref, wr_ref, pos_ref, gs_ref, tab_ref):
    f32 = jnp.float32
    t, _ = x_ref.shape
    e = wr_ref.shape[1]

    logits = jnp.dot(x_ref[...], wr_ref[...], preferred_element_type=f32)
    m = jnp.max(logits, axis=-1, keepdims=True)
    p = jnp.exp(logits - m)
    s = jnp.sum(p, axis=-1, keepdims=True)
    ids = lax.broadcasted_iota(jnp.int32, (t, e), 1)
    cand = jnp.where(logits == m, ids, e)
    idxc = jnp.min(cand, axis=-1, keepdims=True)
    w = 1.0 / s

    oh = (ids == idxc).astype(f32)

    lc = (lax.broadcasted_iota(jnp.int32, (_CH, _CH), 0)
          >= lax.broadcasted_iota(jnp.int32, (_CH, _CH), 1)).astype(f32)
    pre = jnp.zeros((1, e), f32)
    ranks = []
    for c in range(t // _CH):
        oh_c = oh[c * _CH:(c + 1) * _CH, :]
        cum_c = jnp.round(jnp.dot(lc, oh_c, preferred_element_type=f32)) + pre
        ranks.append(jnp.sum(oh_c * cum_c, axis=-1, keepdims=True) - 1.0)
        pre = pre + jnp.sum(oh_c, axis=0, keepdims=True)
    rank = jnp.concatenate(ranks, axis=0)

    counts_row = pre
    cpad_row = jnp.floor((counts_row + 7.0) / 8.0) * 8.0
    u64s = (lax.broadcasted_iota(jnp.int32, (e, e), 0)
            < lax.broadcasted_iota(jnp.int32, (e, e), 1)).astype(f32)
    poff_row = jnp.round(jnp.dot(cpad_row, u64s, preferred_element_type=f32))
    ntiles_row = jnp.floor((counts_row + (_BT - 1)) / _BT)
    tstart_row = jnp.round(jnp.dot(ntiles_row, u64s, preferred_element_type=f32))
    poff_col = jnp.transpose(poff_row, (1, 0))
    counts_col = jnp.transpose(counts_row, (1, 0))

    pos = jnp.round(jnp.dot(oh, poff_col, precision=lax.Precision.HIGHEST,
                            preferred_element_type=f32) + rank)
    pos_ref[...] = pos.astype(jnp.int32)

    bf16 = jnp.bfloat16
    pos_row = jnp.transpose(pos.astype(jnp.int32), (1, 0))
    w_hi = w.astype(bf16)
    w_lo = (w - w_hi.astype(f32)).astype(bf16)
    sch = 512
    sl0 = lax.broadcasted_iota(jnp.int32, (sch, t), 0)
    slot_gs = []
    for c in range(t_pad // sch):
        mm = (sl0 == pos_row - (c * sch)).astype(bf16)
        slot_gs.append(
            jnp.dot(mm, w_hi, preferred_element_type=f32)
            + jnp.dot(mm, w_lo, preferred_element_type=f32))
    gs_ref[...] = jnp.concatenate(slot_gs, axis=0)

    nj = (t + _BT - 1) // _BT
    e_col = lax.broadcasted_iota(jnp.int32, (e, 1), 0).astype(f32)
    slot_iota = lax.broadcasted_iota(jnp.int32, (g_tiles, e), 0).astype(f32)
    tab = jnp.zeros((g_tiles, 3), f32)
    for j in range(nj):
        hit = (slot_iota == tstart_row + j) & (ntiles_row > j)
        a_jt = hit.astype(f32)
        vals = jnp.concatenate(
            [e_col, poff_col + j * _BT,
             jnp.clip(counts_col - j * _BT, 0.0, float(_BT))], axis=1)
        tab = tab + jnp.dot(a_jt, vals, precision=lax.Precision.HIGHEST,
                            preferred_element_type=f32)
    ntot = jnp.round(jnp.sum(ntiles_row, axis=1, keepdims=True))
    laste = jnp.max(jnp.where(counts_col > 0.0, e_col, -1.0),
                    axis=0, keepdims=True)
    tail = (lax.broadcasted_iota(jnp.int32, (g_tiles, 1), 0).astype(f32)
            >= ntot).astype(f32)
    tab = tab + jnp.concatenate(
        [tail * laste, jnp.zeros((g_tiles, 2), f32)], axis=1)
    tab_ref[...] = jnp.round(tab).astype(jnp.int32)


def _run_plan(flat, wr, t_pad, g_tiles):
    t = flat.shape[0]
    return pl.pallas_call(
        functools.partial(_plan_body, t_pad, g_tiles),
        out_shape=[
            jax.ShapeDtypeStruct((t, 1), jnp.int32),
            jax.ShapeDtypeStruct((t_pad, 1), jnp.float32),
            jax.ShapeDtypeStruct((g_tiles, 3), jnp.int32),
        ],
    )(flat, wr)


def _make_sc_scatter(t, t_pad, h, nw, nc):
    rpw = t // nw

    mesh = plsc.VectorSubcoreMesh(core_axis_name="c", subcore_axis_name="s")

    @functools.partial(
        pl.kernel,
        out_type=jax.ShapeDtypeStruct((t_pad, h), jnp.float32),
        mesh=mesh,
        scratch_types=[
            pltpu.VMEM((rpw,), jnp.int32),
            pltpu.VMEM((rpw, h), jnp.float32),
            pltpu.SemaphoreType.DMA,
        ],
    )
    def sc_scatter(x_hbm, pos_hbm, xs_hbm, idx_v, rows_v, sem):
        wid = lax.axis_index("s") * nc + lax.axis_index("c")
        base = wid * rpw
        pltpu.sync_copy(pos_hbm.at[pl.ds(base, rpw)], idx_v)
        pltpu.sync_copy(x_hbm.at[pl.ds(base, rpw)], rows_v)
        pltpu.async_copy(rows_v, xs_hbm.at[idx_v], sem).wait()

    return sc_scatter


def _make_sc_unsort(t, h, nw, nc):
    rpw = t // nw

    mesh = plsc.VectorSubcoreMesh(core_axis_name="c", subcore_axis_name="s")

    @functools.partial(
        pl.kernel,
        out_type=jax.ShapeDtypeStruct((t, h), jnp.float32),
        mesh=mesh,
        scratch_types=[
            pltpu.VMEM((rpw,), jnp.int32),
            pltpu.VMEM((rpw, h), jnp.float32),
            pltpu.SemaphoreType.DMA,
        ],
    )
    def sc_unsort(ys_hbm, pos_hbm, out_hbm, idx_v, rows_v, sem):
        wid = lax.axis_index("s") * nc + lax.axis_index("c")
        base = wid * rpw
        pltpu.sync_copy(pos_hbm.at[pl.ds(base, rpw)], idx_v)
        pltpu.async_copy(ys_hbm.at[idx_v], rows_v, sem).wait()
        pltpu.sync_copy(rows_v, out_hbm.at[pl.ds(base, rpw)])

    return sc_unsort


def _moe_body(t_pad, tab_ref, xs_ref, gs_ref,
              w1_ref, w3_ref, w2_ref, sw1_ref, sw3_ref, sw2_ref, out_ref):
    i = pl.program_id(0)
    f32 = jnp.float32

    @pl.when(i == 0)
    def _zero_init():
        out_ref[...] = jnp.zeros_like(out_ref)

    start = pl.multiple_of(tab_ref[i, 1], 8)
    valid = tab_ref[i, 2]

    @pl.when(valid > 0)
    def _tile():
        xb = xs_ref[pl.ds(start, _BT), :]
        h1 = jnp.dot(xb, w1_ref[0], preferred_element_type=f32)
        h3 = jnp.dot(xb, w3_ref[0], preferred_element_type=f32)
        ge = h1 * jax.nn.sigmoid(h1) * h3
        h1s = jnp.dot(xb, sw1_ref[...], preferred_element_type=f32)
        h3s = jnp.dot(xb, sw3_ref[...], preferred_element_type=f32)
        gsh = h1s * jax.nn.sigmoid(h1s) * h3s
        gate = gs_ref[pl.ds(start, _BT), :]
        rows = lax.broadcasted_iota(jnp.int32, (_BT, 1), 0)
        mask = rows < valid
        ge = jnp.where(mask, ge * gate, 0.0)
        gsh = jnp.where(mask, gsh, 0.0)
        y = (jnp.dot(ge, w2_ref[0], preferred_element_type=f32)
             + jnp.dot(gsh, sw2_ref[...], preferred_element_type=f32))
        cur = out_ref[pl.ds(start, _BT), :]
        out_ref[pl.ds(start, _BT), :] = cur + y


def _run_group_gemm(xs, gs, w1, w3, w2, sw1, sw3, sw2, tab):
    t_pad, h = xs.shape
    _, _, f = w1.shape
    g_tiles = tab.shape[0]
    grid_spec = pltpu.PrefetchScalarGridSpec(
        num_scalar_prefetch=1,
        grid=(g_tiles,),
        in_specs=[
            pl.BlockSpec((t_pad, h), lambda i, tb: (0, 0)),
            pl.BlockSpec((t_pad, 1), lambda i, tb: (0, 0)),
            pl.BlockSpec((1, h, f), lambda i, tb: (tb[i, 0], 0, 0)),
            pl.BlockSpec((1, h, f), lambda i, tb: (tb[i, 0], 0, 0)),
            pl.BlockSpec((1, f, h), lambda i, tb: (tb[i, 0], 0, 0)),
            pl.BlockSpec((h, f), lambda i, tb: (0, 0)),
            pl.BlockSpec((h, f), lambda i, tb: (0, 0)),
            pl.BlockSpec((f, h), lambda i, tb: (0, 0)),
        ],
        out_specs=pl.BlockSpec((t_pad, h), lambda i, tb: (0, 0)),
    )
    return pl.pallas_call(
        functools.partial(_moe_body, t_pad),
        grid_spec=grid_spec,
        out_shape=jax.ShapeDtypeStruct((t_pad, h), jnp.float32),
        compiler_params=pltpu.CompilerParams(
            dimension_semantics=("arbitrary",)),
    )(tab, xs, gs, w1, w3, w2, sw1, sw3, sw2)


def kernel(x, Wr, W1, W3, W2, sW1, sW3, sW2):
    b, t, h = x.shape
    e = W1.shape[0]
    flat = x.reshape(b * t, h)
    t_tok = b * t

    info = plsc.get_sparse_core_info()
    nc, ns = info.num_cores, info.num_subcores
    nw = nc * ns
    t_pad = t_tok + 7 * e
    t_pad = ((t_pad + 8 * nw - 1) // (8 * nw)) * (8 * nw)
    g_tiles = e + (t_tok + _BT - 1) // _BT

    pos2, gs, tab = _run_plan(flat, Wr, t_pad, g_tiles)
    pos = pos2.reshape(t_tok)

    sc_scatter = _make_sc_scatter(t_tok, t_pad, h, nw, nc)
    xs = sc_scatter(flat, pos)

    ys = _run_group_gemm(xs, gs, W1, W3, W2, sW1, sW3, sW2, tab)

    sc_unsort = _make_sc_unsort(t_tok, h, nw, nc)
    out = sc_unsort(ys, pos)
    return out.reshape(b, t, h)

# --- scband reference (transcript-rebuilt; emitter-appended) ---
"""Pipeline reference for scband-mo-elayer-52432960749839 (READ-ONLY COPY).

The authoritative reference and input builder live on the scoring server;
editing this copy changes nothing except your own understanding.
"""

import jax, jax.numpy as jnp
import numpy as np

E = 64
K = 1
H = 768
F = 1024
B = 1
T = 2048


def swiglu(x, w1, w3, w2):
    return (jax.nn.silu(x @ w1) * (x @ w3)) @ w2


def setup_inputs(seed: int = 0) -> dict:
    key = jax.random.key(seed)
    ks = jax.random.split(key, 8)
    x = jax.random.normal(ks[0], (B, T, H), dtype=jnp.float32)
    Wr = jax.random.normal(ks[1], (H, E), dtype=jnp.float32) * 0.02
    W1 = jax.random.normal(ks[2], (E, H, F), dtype=jnp.float32) * 0.02
    W3 = jax.random.normal(ks[3], (E, H, F), dtype=jnp.float32) * 0.02
    W2 = jax.random.normal(ks[4], (E, F, H), dtype=jnp.float32) * 0.02
    sW1 = jax.random.normal(ks[5], (H, F), dtype=jnp.float32) * 0.02
    sW3 = jax.random.normal(ks[6], (H, F), dtype=jnp.float32) * 0.02
    sW2 = jax.random.normal(ks[7], (F, H), dtype=jnp.float32) * 0.02
    return {"x": x, "Wr": Wr, "W1": W1, "W3": W3, "W2": W2, "sW1": sW1, "sW3": sW3, "sW2": sW2}


def reference(x, Wr, W1, W3, W2, sW1, sW3, sW2):
    b, t, h = x.shape
    flat = x.reshape(b * t, h)
    logits = flat @ Wr
    full_scores = jax.nn.softmax(logits, axis=-1)
    w, idx = jax.lax.top_k(full_scores, K)
    num_experts = W1.shape[0]

    def expert_step(out, inputs):
        e, w1, w3, w2 = inputs
        tok_w = jnp.sum(jnp.where(idx == e, w, 0.0), axis=1)
        y = swiglu(flat, w1, w3, w2)
        return out + tok_w[:, None] * y, None

    out, _ = jax.lax.scan(
        expert_step,
        jnp.zeros_like(flat),
        (jnp.arange(num_experts), W1, W3, W2),
    )
    out = out + swiglu(flat, sW1, sW3, sW2)
    return out.reshape(b, t, h)

if __name__ == "__main__":
    import jax
    _d = setup_inputs()
    print(jax.jit(kernel)(*tuple(_d.values())))

</pallas_src>

<mosaic_0001>
#map = affine_map<(d0, d1) -> (0, 0)>
#map1 = affine_map<(d0, d1) -> (0)>
module attributes {stable_mosaic.version = 14 : i64} {
  func.func @sc_scatter(%arg0: i32, %arg1: i32, %arg2: memref<2048x768xf32, #tpu.memory_space<hbm>>, %arg3: memref<2048xi32, #tpu.memory_space<hbm>>, %arg4: memref<2560x768xf32, #tpu.memory_space<hbm>>, %arg5: memref<64xi32, #tpu.memory_space<vmem>>, %arg6: memref<64x768xf32, #tpu.memory_space<vmem>>, %arg7: memref<!tpu.dma_semaphore, #tpu.memory_space<semaphore_mem>>) attributes {dimension_semantics = [#tpu.dimension_semantics<core_parallel>, #tpu.dimension_semantics<subcore_parallel>], iteration_bounds = array<i64: 2, 16>, scalar_prefetch = 0 : i64, scratch_operands = 3 : i64, tpu.core_type = #tpu.core_type<sc_vector_subcore>, window_params = [{transform_indices = #map}, {transform_indices = #map1}, {transform_indices = #map}]} {
    %mul3A = arith.constant 2 : i32
    %mul3A_0 = arith.muli %arg1, %mul3A : i32
    %add3A = arith.addi %mul3A_0, %arg0 : i32
    %mul3A_1 = arith.constant 64 : i32
    %mul3A_2 = arith.muli %add3A, %mul3A_1 : i32
    "tpu.region"() ({
      %run_scoped3A = tpu.sem_alloc : memref<!tpu.dma_semaphore, #tpu.memory_space<semaphore_mem>>
      %dma_start3A_7 = tpu.memref_slice %arg3[%mul3A_2] : memref<2048xi32, #tpu.memory_space<hbm>> -> memref<64xi32, #tpu.memory_space<hbm>>
      %dma_start3A_8 = tpu.memref_slice %arg3[%mul3A_2] : memref<2048xi32, #tpu.memory_space<hbm>> -> memref<64xi32, #tpu.memory_space<hbm>>
      tpu.enqueue_dma source(%dma_start3A_8 : memref<64xi32, #tpu.memory_space<hbm>>) target(%arg5 : memref<64xi32, #tpu.memory_space<vmem>>) target_semaphore(%run_scoped3A : memref<!tpu.dma_semaphore, #tpu.memory_space<semaphore_mem>>)
      %dma_wait3A_9 = tpu.memref_slice %arg3[%mul3A_2] : memref<2048xi32, #tpu.memory_space<hbm>> -> memref<64xi32, #tpu.memory_space<hbm>>
      %dma_wait3A_10 = tpu.memref_slice %arg3[%mul3A_2] : memref<2048xi32, #tpu.memory_space<hbm>> -> memref<64xi32, #tpu.memory_space<hbm>>
      tpu.wait_dma2 semaphore(%run_scoped3A : memref<!tpu.dma_semaphore, #tpu.memory_space<semaphore_mem>>) src(%dma_wait3A_10 : memref<64xi32, #tpu.memory_space<hbm>>) dst(%arg5 : memref<64xi32, #tpu.memory_space<vmem>>)
      tpu.yield
    }) : () -> ()
    "tpu.region"() ({
      %run_scoped3A = tpu.sem_alloc : memref<!tpu.dma_semaphore, #tpu.memory_space<semaphore_mem>>
      %dma_start3A_7 = arith.constant 0 : i32
      %dma_start3A_8 = tpu.memref_slice %arg2[%mul3A_2, %dma_start3A_7] : memref<2048x768xf32, #tpu.memory_space<hbm>> -> memref<64x768xf32, #tpu.memory_space<hbm>>
      %dma_start3A_9 = arith.constant 0 : i32
      %dma_start3A_10 = tpu.memref_slice %arg2[%mul3A_2, %dma_start3A_9] : memref<2048x768xf32, #tpu.memory_space<hbm>> -> memref<64x768xf32, #tpu.memory_space<hbm>>
      tpu.enqueue_dma source(%dma_start3A_10 : memref<64x768xf32, #tpu.memory_space<hbm>>) target(%arg6 : memref<64x768xf32, #tpu.memory_space<vmem>>) target_semaphore(%run_scoped3A : memref<!tpu.dma_semaphore, #tpu.memory_space<semaphore_mem>>)
      %dma_wait3A_11 = arith.constant 0 : i32
      %dma_wait3A_12 = tpu.memref_slice %arg2[%mul3A_2, %dma_wait3A_11] : memref<2048x768xf32, #tpu.memory_space<hbm>> -> memref<64x768xf32, #tpu.memory_space<hbm>>
      %dma_wait3A_13 = arith.constant 0 : i32
      %dma_wait3A_14 = tpu.memref_slice %arg2[%mul3A_2, %dma_wait3A_13] : memref<2048x768xf32, #tpu.memory_space<hbm>> -> memref<64x768xf32, #tpu.memory_space<hbm>>
      tpu.wait_dma2 semaphore(%run_scoped3A : memref<!tpu.dma_semaphore, #tpu.memory_space<semaphore_mem>>) src(%dma_wait3A_14 : memref<64x768xf32, #tpu.memory_space<hbm>>) dst(%arg6 : memref<64x768xf32, #tpu.memory_space<vmem>>)
      tpu.yield
    }) : () -> ()
    %dma_start3A = arith.constant 0 : i32
    %dma_start3A_3 = arith.constant 0 : i32
    %dma_start3A_4 = tpu.memref_slice %arg4[%dma_start3A, %dma_start3A_3] : memref<2560x768xf32, #tpu.memory_space<hbm>> -> memref<2560x768xf32, #tpu.memory_space<hbm>>
    tpu.enqueue_indirect_dma source(%arg6 : memref<64x768xf32, #tpu.memory_space<vmem>>) target(%dma_start3A_4 : memref<2560x768xf32, #tpu.memory_space<hbm>>) offsets(%arg5 : memref<64xi32, #tpu.memory_space<vmem>>) semaphore(%arg7 : memref<!tpu.dma_semaphore, #tpu.memory_space<semaphore_mem>>)
    %dma_wait3A = arith.constant 0 : i32
    %dma_wait3A_5 = arith.constant 0 : i32
    %dma_wait3A_6 = tpu.memref_slice %arg4[%dma_wait3A, %dma_wait3A_5] : memref<2560x768xf32, #tpu.memory_space<hbm>> -> memref<2560x768xf32, #tpu.memory_space<hbm>>
    tpu.wait_indirect_dma semaphore(%arg7 : memref<!tpu.dma_semaphore, #tpu.memory_space<semaphore_mem>>) src(%arg6 : memref<64x768xf32, #tpu.memory_space<vmem>>) dst(%dma_wait3A_6 : memref<2560x768xf32, #tpu.memory_space<hbm>>)
    return
  }
}

#map = affine_map<(d0, d1) -> (0, 0)>
#map1 = affine_map<(d0, d1) -> (0)>
module attributes {stable_mosaic.version = 14 : i64} {
  func.func @sc_unsort(%arg0: i32, %arg1: i32, %arg2: memref<2560x768xf32, #tpu.memory_space<hbm>>, %arg3: memref<2048xi32, #tpu.memory_space<hbm>>, %arg4: memref<2048x768xf32, #tpu.memory_space<hbm>>, %arg5: memref<64xi32, #tpu.memory_space<vmem>>, %arg6: memref<64x768xf32, #tpu.memory_space<vmem>>, %arg7: memref<!tpu.dma_semaphore, #tpu.memory_space<semaphore_mem>>) attributes {dimension_semantics = [#tpu.dimension_semantics<core_parallel>, #tpu.dimension_semantics<subcore_parallel>], iteration_bounds = array<i64: 2, 16>, scalar_prefetch = 0 : i64, scratch_operands = 3 : i64, tpu.core_type = #tpu.core_type<sc_vector_subcore>, window_params = [{transform_indices = #map}, {transform_indices = #map1}, {transform_indices = #map}]} {
    %mul3A = arith.constant 2 : i32
    %mul3A_0 = arith.muli %arg1, %mul3A : i32
    %add3A = arith.addi %mul3A_0, %arg0 : i32
    %mul3A_1 = arith.constant 64 : i32
    %mul3A_2 = arith.muli %add3A, %mul3A_1 : i32
    "tpu.region"() ({
      %run_scoped3A = tpu.sem_alloc : memref<!tpu.dma_semaphore, #tpu.memory_space<semaphore_mem>>
      %dma_start3A_7 = tpu.memref_slice %arg3[%mul3A_2] : memref<2048xi32, #tpu.memory_space<hbm>> -> memref<64xi32, #tpu.memory_space<hbm>>
      %dma_start3A_8 = tpu.memref_slice %arg3[%mul3A_2] : memref<2048xi32, #tpu.memory_space<hbm>> -> memref<64xi32, #tpu.memory_space<hbm>>
      tpu.enqueue_dma source(%dma_start3A_8 : memref<64xi32, #tpu.memory_space<hbm>>) target(%arg5 : memref<64xi32, #tpu.memory_space<vmem>>) target_semaphore(%run_scoped3A : memref<!tpu.dma_semaphore, #tpu.memory_space<semaphore_mem>>)
      %dma_wait3A_9 = tpu.memref_slice %arg3[%mul3A_2] : memref<2048xi32, #tpu.memory_space<hbm>> -> memref<64xi32, #tpu.memory_space<hbm>>
      %dma_wait3A_10 = tpu.memref_slice %arg3[%mul3A_2] : memref<2048xi32, #tpu.memory_space<hbm>> -> memref<64xi32, #tpu.memory_space<hbm>>
      tpu.wait_dma2 semaphore(%run_scoped3A : memref<!tpu.dma_semaphore, #tpu.memory_space<semaphore_mem>>) src(%dma_wait3A_10 : memref<64xi32, #tpu.memory_space<hbm>>) dst(%arg5 : memref<64xi32, #tpu.memory_space<vmem>>)
      tpu.yield
    }) : () -> ()
    %dma_start3A = arith.constant 0 : i32
    %dma_start3A_3 = arith.constant 0 : i32
    %dma_start3A_4 = tpu.memref_slice %arg2[%dma_start3A, %dma_start3A_3] : memref<2560x768xf32, #tpu.memory_space<hbm>> -> memref<2560x768xf32, #tpu.memory_space<hbm>>
    tpu.enqueue_indirect_dma source(%dma_start3A_4 : memref<2560x768xf32, #tpu.memory_space<hbm>>) target(%arg6 : memref<64x768xf32, #tpu.memory_space<vmem>>) offsets(%arg5 : memref<64xi32, #tpu.memory_space<vmem>>) semaphore(%arg7 : memref<!tpu.dma_semaphore, #tpu.memory_space<semaphore_mem>>)
    %dma_wait3A = arith.constant 0 : i32
    %dma_wait3A_5 = arith.constant 0 : i32
    %dma_wait3A_6 = tpu.memref_slice %arg2[%dma_wait3A, %dma_wait3A_5] : memref<2560x768xf32, #tpu.memory_space<hbm>> -> memref<2560x768xf32, #tpu.memory_space<hbm>>
    tpu.wait_indirect_dma semaphore(%arg7 : memref<!tpu.dma_semaphore, #tpu.memory_space<semaphore_mem>>) src(%dma_wait3A_6 : memref<2560x768xf32, #tpu.memory_space<hbm>>) dst(%arg6 : memref<64x768xf32, #tpu.memory_space<vmem>>)
    "tpu.region"() ({
      %run_scoped3A = tpu.sem_alloc : memref<!tpu.dma_semaphore, #tpu.memory_space<semaphore_mem>>
      %dma_start3A_7 = arith.constant 0 : i32
      %dma_start3A_8 = tpu.memref_slice %arg4[%mul3A_2, %dma_start3A_7] : memref<2048x768xf32, #tpu.memory_space<hbm>> -> memref<64x768xf32, #tpu.memory_space<hbm>>
      %dma_start3A_9 = arith.constant 0 : i32
      %dma_start3A_10 = tpu.memref_slice %arg4[%mul3A_2, %dma_start3A_9] : memref<2048x768xf32, #tpu.memory_space<hbm>> -> memref<64x768xf32, #tpu.memory_space<hbm>>
      tpu.enqueue_dma source(%arg6 : memref<64x768xf32, #tpu.memory_space<vmem>>) target(%dma_start3A_10 : memref<64x768xf32, #tpu.memory_space<hbm>>) target_semaphore(%run_scoped3A : memref<!tpu.dma_semaphore, #tpu.memory_space<semaphore_mem>>)
      %dma_wait3A_11 = arith.constant 0 : i32
      %dma_wait3A_12 = tpu.memref_slice %arg4[%mul3A_2, %dma_wait3A_11] : memref<2048x768xf32, #tpu.memory_space<hbm>> -> memref<64x768xf32, #tpu.memory_space<hbm>>
      %dma_wait3A_13 = arith.constant 0 : i32
      %dma_wait3A_14 = tpu.memref_slice %arg4[%mul3A_2, %dma_wait3A_13] : memref<2048x768xf32, #tpu.memory_space<hbm>> -> memref<64x768xf32, #tpu.memory_space<hbm>>
      tpu.wait_dma2 semaphore(%run_scoped3A : memref<!tpu.dma_semaphore, #tpu.memory_space<semaphore_mem>>) src(%arg6 : memref<64x768xf32, #tpu.memory_space<vmem>>) dst(%dma_wait3A_14 : memref<64x768xf32, #tpu.memory_space<hbm>>)
      tpu.yield
    }) : () -> ()
    return
  }
}

module attributes {stable_mosaic.version = 14 : i64} {
  func.func @_plan_body(%arg0: memref<2048x768xf32, #tpu.memory_space<vmem>>, %arg1: memref<768x64xf32, #tpu.memory_space<vmem>>, %arg2: memref<2048x1xi32, #tpu.memory_space<vmem>>, %arg3: memref<2560x1xf32, #tpu.memory_space<vmem>>, %arg4: memref<80x3xi32, #tpu.memory_space<vmem>>) attributes {dimension_semantics = [], scalar_prefetch = 0 : i64, scratch_operands = 0 : i64, tpu.core_type = #tpu.core_type<tc>} {
    %get3A = arith.constant 0 : index
    %get3A_0 = arith.constant 0 : index
    %get3A_1 = vector.load %arg0[%get3A, %get3A_0] : memref<2048x768xf32, #tpu.memory_space<vmem>>, vector<2048x768xf32>
    %get3A_2 = arith.constant 0 : index
    %get3A_3 = arith.constant 0 : index
    %get3A_4 = vector.load %arg1[%get3A_2, %get3A_3] : memref<768x64xf32, #tpu.memory_space<vmem>>, vector<768x64xf32>
    %dot_general3A = arith.constant dense<0.000000e+00> : vector<2048x64xf32>
    %dot_general3A_5 = tpu.matmul %get3A_1, %get3A_4, %dot_general3A {dimension_numbers = #tpu.dot_dimension_numbers<[1], [0], [0], [1], [0, 0, 1, 1], [], []>, transpose_lhs_hint = false} : vector<2048x768xf32>, vector<768x64xf32>, vector<2048x64xf32> -> vector<2048x64xf32>
    %reduce_max3A = arith.constant dense<0xFF800000> : vector<2048xf32>
    %reduce_max3A_6 = vector.multi_reduction <maximumf>, %dot_general3A_5, %reduce_max3A [1] : vector<2048x64xf32> to vector<2048xf32>
    %broadcast_in_dim3A = vector.shape_cast %reduce_max3A_6 : vector<2048xf32> to vector<2048x1xf32>
    %sub3A = vector.broadcast %broadcast_in_dim3A : vector<2048x1xf32> to vector<2048x64xf32>
    %sub3A_7 = arith.subf %dot_general3A_5, %sub3A : vector<2048x64xf32>
    %exp3A = math.exp %sub3A_7 : vector<2048x64xf32>
    %reduce_sum3A = arith.constant dense<0.000000e+00> : vector<2048xf32>
    %reduce_sum3A_8 = vector.multi_reduction <add>, %exp3A, %reduce_sum3A [1] : vector<2048x64xf32> to vector<2048xf32>
    %broadcast_in_dim3A_9 = vector.shape_cast %reduce_sum3A_8 : vector<2048xf32> to vector<2048x1xf32>
    %iota3A = tpu.iota {dimensions = array<i32: 1>} : vector<2048x64xi32>
    %eq3A = vector.broadcast %broadcast_in_dim3A : vector<2048x1xf32> to vector<2048x64xf32>
    %eq3A_10 = arith.cmpf oeq, %dot_general3A_5, %eq3A : vector<2048x64xf32>
    %jit3A = arith.constant 64 : i32
    %broadcast_in_dim3A_11 = vector.broadcast %jit3A : i32 to vector<2048x64xi32>
    %select_n3A = arith.select %eq3A_10, %iota3A, %broadcast_in_dim3A_11 : vector<2048x64xi1>, vector<2048x64xi32>
    %reduce_min3A = arith.constant dense<2147483647> : vector<2048xi32>
    %reduce_min3A_12 = vector.multi_reduction <minsi>, %select_n3A, %reduce_min3A [1] : vector<2048x64xi32> to vector<2048xi32>
    %broadcast_in_dim3A_13 = vector.shape_cast %reduce_min3A_12 : vector<2048xi32> to vector<2048x1xi32>
    %div3A = arith.constant 1.000000e+00 : f32
    %div3A_14 = vector.broadcast %div3A : f32 to vector<2048x1xf32>
    %div3A_15 = arith.divf %div3A_14, %broadcast_in_dim3A_9 : vector<2048x1xf32>
    %eq3A_16 = vector.broadcast %broadcast_in_dim3A_13 : vector<2048x1xi32> to vector<2048x64xi32>
    %eq3A_17 = arith.cmpi eq, %iota3A, %eq3A_16 : vector<2048x64xi32>
    %convert_element_type3A = arith.extui %eq3A_17 : vector<2048x64xi1> to vector<2048x64xi32>
    %convert_element_type3A_18 = arith.sitofp %convert_element_type3A : vector<2048x64xi32> to vector<2048x64xf32>
    %iota3A_19 = tpu.iota {dimensions = array<i32: 0>} : vector<256x256xi32>
    %iota3A_20 = tpu.iota {dimensions = array<i32: 1>} : vector<256x256xi32>
    %ge3A = arith.cmpi sge, %iota3A_19, %iota3A_20 : vector<256x256xi32>
    %convert_element_type3A_21 = arith.extui %ge3A : vector<256x256xi1> to vector<256x256xi32>
    %convert_element_type3A_22 = arith.sitofp %convert_element_type3A_21 : vector<256x256xi32> to vector<256x256xf32>
    %broadcast_in_dim3A_23 = arith.constant 0.000000e+00 : f32
    %broadcast_in_dim3A_24 = vector.broadcast %broadcast_in_dim3A_23 : f32 to vector<1x64xf32>
    %slice3A = vector.extract_strided_slice %convert_element_type3A_18 {offsets = [0, 0], sizes = [256, 64], strides = [1, 1]} : vector<2048x64xf32> to vector<256x64xf32>
    %dot_general3A_25 = arith.constant dense<0.000000e+00> : vector<256x64xf32>
    %dot_general3A_26 = tpu.matmul %convert_element_type3A_22, %slice3A, %dot_general3A_25 {dimension_numbers = #tpu.dot_dimension_numbers<[1], [0], [0], [1], [0, 0, 1, 1], [], []>, transpose_lhs_hint = false} : vector<256x256xf32>, vector<256x64xf32>, vector<256x64xf32> -> vector<256x64xf32>
    %round3A = math.roundeven %dot_general3A_26 : vector<256x64xf32>
    %add3A = vector.broadcast %broadcast_in_dim3A_24 : vector<1x64xf32> to vector<256x64xf32>
    %add3A_27 = arith.addf %round3A, %add3A : vector<256x64xf32>
    %mul3A = arith.mulf %slice3A, %add3A_27 : vector<256x64xf32>
    %reduce_sum3A_28 = arith.constant dense<0.000000e+00> : vector<256xf32>
    %reduce_sum3A_29 = vector.multi_reduction <add>, %mul3A, %reduce_sum3A_28 [1] : vector<256x64xf32> to vector<256xf32>
    %broadcast_in_dim3A_30 = vector.shape_cast %reduce_sum3A_29 : vector<256xf32> to vector<256x1xf32>
    %sub3A_31 = arith.constant 1.000000e+00 : f32
    %sub3A_32 = vector.broadcast %sub3A_31 : f32 to vector<256x1xf32>
    %sub3A_33 = arith.subf %broadcast_in_dim3A_30, %sub3A_32 : vector<256x1xf32>
    %reduce_sum3A_34 = arith.constant dense<0.000000e+00> : vector<64xf32>
    %reduce_sum3A_35 = vector.multi_reduction <add>, %slice3A, %reduce_sum3A_34 [0] : vector<256x64xf32> to vector<64xf32>
    %broadcast_in_dim3A_36 = vector.shape_cast %reduce_sum3A_35 : vector<64xf32> to vector<1x64xf32>
    %add3A_37 = arith.addf %broadcast_in_dim3A_24, %broadcast_in_dim3A_36 : vector<1x64xf32>
    %slice3A_38 = vector.extract_strided_slice %convert_element_type3A_18 {offsets = [256, 0], sizes = [256, 64], strides = [1, 1]} : vector<2048x64xf32> to vector<256x64xf32>
    %dot_general3A_39 = arith.constant dense<0.000000e+00> : vector<256x64xf32>
    %dot_general3A_40 = tpu.matmul %convert_element_type3A_22, %slice3A_38, %dot_general3A_39 {dimension_numbers = #tpu.dot_dimension_numbers<[1], [0], [0], [1], [0, 0, 1, 1], [], []>, transpose_lhs_hint = false} : vector<256x256xf32>, vector<256x64xf32>, vector<256x64xf32> -> vector<256x64xf32>
    %round3A_41 = math.roundeven %dot_general3A_40 : vector<256x64xf32>
    %add3A_42 = vector.broadcast %add3A_37 : vector<1x64xf32> to vector<256x64xf32>
    %add3A_43 = arith.addf %round3A_41, %add3A_42 : vector<256x64xf32>
    %mul3A_44 = arith.mulf %slice3A_38, %add3A_43 : vector<256x64xf32>
    %reduce_sum3A_45 = arith.constant dense<0.000000e+00> : vector<256xf32>
    %reduce_sum3A_46 = vector.multi_reduction <add>, %mul3A_44, %reduce_sum3A_45 [1] : vector<256x64xf32> to vector<256xf32>
    %broadcast_in_dim3A_47 = vector.shape_cast %reduce_sum3A_46 : vector<256xf32> to vector<256x1xf32>
    %sub3A_48 = arith.constant 1.000000e+00 : f32
    %sub3A_49 = vector.broadcast %sub3A_48 : f32 to vector<256x1xf32>
    %sub3A_50 = arith.subf %broadcast_in_dim3A_47, %sub3A_49 : vector<256x1xf32>
    %reduce_sum3A_51 = arith.constant dense<0.000000e+00> : vector<64xf32>
    %reduce_sum3A_52 = vector.multi_reduction <add>, %slice3A_38, %reduce_sum3A_51 [0] : vector<256x64xf32> to vector<64xf32>
    %broadcast_in_dim3A_53 = vector.shape_cast %reduce_sum3A_52 : vector<64xf32> to vector<1x64xf32>
    %add3A_54 = arith.addf %add3A_37, %broadcast_in_dim3A_53 : vector<1x64xf32>
    %slice3A_55 = vector.extract_strided_slice %convert_element_type3A_18 {offsets = [512, 0], sizes = [256, 64], strides = [1, 1]} : vector<2048x64xf32> to vector<256x64xf32>
    %dot_general3A_56 = arith.constant dense<0.000000e+00> : vector<256x64xf32>
    %dot_general3A_57 = tpu.matmul %convert_element_type3A_22, %slice3A_55, %dot_general3A_56 {dimension_numbers = #tpu.dot_dimension_numbers<[1], [0], [0], [1], [0, 0, 1, 1], [], []>, transpose_lhs_hint = false} : vector<256x256xf32>, vector<256x64xf32>, vector<256x64xf32> -> vector<256x64xf32>
    %round3A_58 = math.roundeven %dot_general3A_57 : vector<256x64xf32>
    %add3A_59 = vector.broadcast %add3A_54 : vector<1x64xf32> to vector<256x64xf32>
    %add3A_60 = arith.addf %round3A_58, %add3A_59 : vector<256x64xf32>
    %mul3A_61 = arith.mulf %slice3A_55, %add3A_60 : vector<256x64xf32>
    %reduce_sum3A_62 = arith.constant dense<0.000000e+00> : vector<256xf32>
    %reduce_sum3A_63 = vector.multi_reduction <add>, %mul3A_61, %reduce_sum3A_62 [1] : vector<256x64xf32> to vector<256xf32>
    %broadcast_in_dim3A_64 = vector.shape_cast %reduce_sum3A_63 : vector<256xf32> to vector<256x1xf32>
    %sub3A_65 = arith.constant 1.000000e+00 : f32
    %sub3A_66 = vector.broadcast %sub3A_65 : f32 to vector<256x1xf32>
    %sub3A_67 = arith.subf %broadcast_in_dim3A_64, %sub3A_66 : vector<256x1xf32>
    %reduce_sum3A_68 = arith.constant dense<0.000000e+00> : vector<64xf32>
    %reduce_sum3A_69 = vector.multi_reduction <add>, %slice3A_55, %reduce_sum3A_68 [0] : vector<256x64xf32> to vector<64xf32>
    %broadcast_in_dim3A_70 = vector.shape_cast %reduce_sum3A_69 : vector<64xf32> to vector<1x64xf32>
    %add3A_71 = arith.addf %add3A_54, %broadcast_in_dim3A_70 : vector<1x64xf32>
    %slice3A_72 = vector.extract_strided_slice %convert_element_type3A_18 {offsets = [768, 0], sizes = [256, 64], strides = [1, 1]} : vector<2048x64xf32> to vector<256x64xf32>
    %dot_general3A_73 = arith.constant dense<0.000000e+00> : vector<256x64xf32>
    %dot_general3A_74 = tpu.matmul %convert_element_type3A_22, %slice3A_72, %dot_general3A_73 {dimension_numbers = #tpu.dot_dimension_numbers<[1], [0], [0], [1], [0, 0, 1, 1], [], []>, transpose_lhs_hint = false} : vector<256x256xf32>, vector<256x64xf32>, vector<256x64xf32> -> vector<256x64xf32>
    %round3A_75 = math.roundeven %dot_general3A_74 : vector<256x64xf32>
    %add3A_76 = vector.broadcast %add3A_71 : vector<1x64xf32> to vector<256x64xf32>
    %add3A_77 = arith.addf %round3A_75, %add3A_76 : vector<256x64xf32>
    %mul3A_78 = arith.mulf %slice3A_72, %add3A_77 : vector<256x64xf32>
    %reduce_sum3A_79 = arith.constant dense<0.000000e+00> : vector<256xf32>
    %reduce_sum3A_80 = vector.multi_reduction <add>, %mul3A_78, %reduce_sum3A_79 [1] : vector<256x64xf32> to vector<256xf32>
    %broadcast_in_dim3A_81 = vector.shape_cast %reduce_sum3A_80 : vector<256xf32> to vector<256x1xf32>
    %sub3A_82 = arith.constant 1.000000e+00 : f32
    %sub3A_83 = vector.broadcast %sub3A_82 : f32 to vector<256x1xf32>
    %sub3A_84 = arith.subf %broadcast_in_dim3A_81, %sub3A_83 : vector<256x1xf32>
    %reduce_sum3A_85 = arith.constant dense<0.000000e+00> : vector<64xf32>
    %reduce_sum3A_86 = vector.multi_reduction <add>, %slice3A_72, %reduce_sum3A_85 [0] : vector<256x64xf32> to vector<64xf32>
    %broadcast_in_dim3A_87 = vector.shape_cast %reduce_sum3A_86 : vector<64xf32> to vector<1x64xf32>
    %add3A_88 = arith.addf %add3A_71, %broadcast_in_dim3A_87 : vector<1x64xf32>
    %slice3A_89 = vector.extract_strided_slice %convert_element_type3A_18 {offsets = [1024, 0], sizes = [256, 64], strides = [1, 1]} : vector<2048x64xf32> to vector<256x64xf32>
    %dot_general3A_90 = arith.constant dense<0.000000e+00> : vector<256x64xf32>
    %dot_general3A_91 = tpu.matmul %convert_element_type3A_22, %slice3A_89, %dot_general3A_90 {dimension_numbers = #tpu.dot_dimension_numbers<[1], [0], [0], [1], [0, 0, 1, 1], [], []>, transpose_lhs_hint = false} : vector<256x256xf32>, vector<256x64xf32>, vector<256x64xf32> -> vector<256x64xf32>
    %round3A_92 = math.roundeven %dot_general3A_91 : vector<256x64xf32>
    %add3A_93 = vector.broadcast %add3A_88 : vector<1x64xf32> to vector<256x64xf32>
    %add3A_94 = arith.addf %round3A_92, %add3A_93 : vector<256x64xf32>
    %mul3A_95 = arith.mulf %slice3A_89, %add3A_94 : vector<256x64xf32>
    %reduce_sum3A_96 = arith.constant dense<0.000000e+00> : vector<256xf32>
    %reduce_sum3A_97 = vector.multi_reduction <add>, %mul3A_95, %reduce_sum3A_96 [1] : vector<256x64xf32> to vector<256xf32>
    %broadcast_in_dim3A_98 = vector.shape_cast %reduce_sum3A_97 : vector<256xf32> to vector<256x1xf32>
    %sub3A_99 = arith.constant 1.000000e+00 : f32
    %sub3A_100 = vector.broadcast %sub3A_99 : f32 to vector<256x1xf32>
    %sub3A_101 = arith.subf %broadcast_in_dim3A_98, %sub3A_100 : vector<256x1xf32>
    %reduce_sum3A_102 = arith.constant dense<0.000000e+00> : vector<64xf32>
    %reduce_sum3A_103 = vector.multi_reduction <add>, %slice3A_89, %reduce_sum3A_102 [0] : vector<256x64xf32> to vector<64xf32>
    %broadcast_in_dim3A_104 = vector.shape_cast %reduce_sum3A_103 : vector<64xf32> to vector<1x64xf32>
    %add3A_105 = arith.addf %add3A_88, %broadcast_in_dim3A_104 : vector<1x64xf32>
    %slice3A_106 = vector.extract_strided_slice %convert_element_type3A_18 {offsets = [1280, 0], sizes = [256, 64], strides = [1, 1]} : vector<2048x64xf32> to vector<256x64xf32>
    %dot_general3A_107 = arith.constant dense<0.000000e+00> : vector<256x64xf32>
    %dot_general3A_108 = tpu.matmul %convert_element_type3A_22, %slice3A_106, %dot_general3A_107 {dimension_numbers = #tpu.dot_dimension_numbers<[1], [0], [0], [1], [0, 0, 1, 1], [], []>, transpose_lhs_hint = false} : vector<256x256xf32>, vector<256x64xf32>, vector<256x64xf32> -> vector<256x64xf32>
    %round3A_109 = math.roundeven %dot_general3A_108 : vector<256x64xf32>
    %add3A_110 = vector.broadcast %add3A_105 : vector<1x64xf32> to vector<256x64xf32>
    %add3A_111 = arith.addf %round3A_109, %add3A_110 : vector<256x64xf32>
    %mul3A_112 = arith.mulf %slice3A_106, %add3A_111 : vector<256x64xf32>
    %reduce_sum3A_113 = arith.constant dense<0.000000e+00> : vector<256xf32>
    %reduce_sum3A_114 = vector.multi_reduction <add>, %mul3A_112, %reduce_sum3A_113 [1] : vector<256x64xf32> to vector<256xf32>
    %broadcast_in_dim3A_115 = vector.shape_cast %reduce_sum3A_114 : vector<256xf32> to vector<256x1xf32>
    %sub3A_116 = arith.constant 1.000000e+00 : f32
    %sub3A_117 = vector.broadcast %sub3A_116 : f32 to vector<256x1xf32>
    %sub3A_118 = arith.subf %broadcast_in_dim3A_115, %sub3A_117 : vector<256x1xf32>
    %reduce_sum3A_119 = arith.constant dense<0.000000e+00> : vector<64xf32>
    %reduce_sum3A_120 = vector.multi_reduction <add>, %slice3A_106, %reduce_sum3A_119 [0] : vector<256x64xf32> to vector<64xf32>
    %broadcast_in_dim3A_121 = vector.shape_cast %reduce_sum3A_120 : vector<64xf32> to vector<1x64xf32>
    %add3A_122 = arith.addf %add3A_105, %broadcast_in_dim3A_121 : vector<1x64xf32>
    %slice3A_123 = vector.extract_strided_slice %convert_element_type3A_18 {offsets = [1536, 0], sizes = [256, 64], strides = [1, 1]} : vector<2048x64xf32> to vector<256x64xf32>
    %dot_general3A_124 = arith.constant dense<0.000000e+00> : vector<256x64xf32>
    %dot_general3A_125 = tpu.matmul %convert_element_type3A_22, %slice3A_123, %dot_general3A_124 {dimension_numbers = #tpu.dot_dimension_numbers<[1], [0], [0], [1], [0, 0, 1, 1], [], []>, transpose_lhs_hint = false} : vector<256x256xf32>, vector<256x64xf32>, vector<256x64xf32> -> vector<256x64xf32>
    %round3A_126 = math.roundeven %dot_general3A_125 : vector<256x64xf32>
    %add3A_127 = vector.broadcast %add3A_122 : vector<1x64xf32> to vector<256x64xf32>
    %add3A_128 = arith.addf %round3A_126, %add3A_127 : vector<256x64xf32>
    %mul3A_129 = arith.mulf %slice3A_123, %add3A_128 : vector<256x64xf32>
    %reduce_sum3A_130 = arith.constant dense<0.000000e+00> : vector<256xf32>
    %reduce_sum3A_131 = vector.multi_reduction <add>, %mul3A_129, %reduce_sum3A_130 [1] : vector<256x64xf32> to vector<256xf32>
    %broadcast_in_dim3A_132 = vector.shape_cast %reduce_sum3A_131 : vector<256xf32> to vector<256x1xf32>
    %sub3A_133 = arith.constant 1.000000e+00 : f32
    %sub3A_134 = vector.broadcast %sub3A_133 : f32 to vector<256x1xf32>
    %sub3A_135 = arith.subf %broadcast_in_dim3A_132, %sub3A_134 : vector<256x1xf32>
    %reduce_sum3A_136 = arith.constant dense<0.000000e+00> : vector<64xf32>
    %reduce_sum3A_137 = vector.multi_reduction <add>, %slice3A_123, %reduce_sum3A_136 [0] : vector<256x64xf32> to vector<64xf32>
    %broadcast_in_dim3A_138 = vector.shape_cast %reduce_sum3A_137 : vector<64xf32> to vector<1x64xf32>
    %add3A_139 = arith.addf %add3A_122, %broadcast_in_dim3A_138 : vector<1x64xf32>
    %slice3A_140 = vector.extract_strided_slice %convert_element_type3A_18 {offsets = [1792, 0], sizes = [256, 64], strides = [1, 1]} : vector<2048x64xf32> to vector<256x64xf32>
    %dot_general3A_141 = arith.constant dense<0.000000e+00> : vector<256x64xf32>
    %dot_general3A_142 = tpu.matmul %convert_element_type3A_22, %slice3A_140, %dot_general3A_141 {dimension_numbers = #tpu.dot_dimension_numbers<[1], [0], [0], [1], [0, 0, 1, 1], [], []>, transpose_lhs_hint = false} : vector<256x256xf32>, vector<256x64xf32>, vector<256x64xf32> -> vector<256x64xf32>
    %round3A_143 = math.roundeven %dot_general3A_142 : vector<256x64xf32>
    %add3A_144 = vector.broadcast %add3A_139 : vector<1x64xf32> to vector<256x64xf32>
    %add3A_145 = arith.addf %round3A_143, %add3A_144 : vector<256x64xf32>
    %mul3A_146 = arith.mulf %slice3A_140, %add3A_145 : vector<256x64xf32>
    %reduce_sum3A_147 = arith.constant dense<0.000000e+00> : vector<256xf32>
    %reduce_sum3A_148 = vector.multi_reduction <add>, %mul3A_146, %reduce_sum3A_147 [1] : vector<256x64xf32> to vector<256xf32>
    %broadcast_in_dim3A_149 = vector.shape_cast %reduce_sum3A_148 : vector<256xf32> to vector<256x1xf32>
    %sub3A_150 = arith.constant 1.000000e+00 : f32
    %sub3A_151 = vector.broadcast %sub3A_150 : f32 to vector<256x1xf32>
    %sub3A_152 = arith.subf %broadcast_in_dim3A_149, %sub3A_151 : vector<256x1xf32>
    %reduce_sum3A_153 = arith.constant dense<0.000000e+00> : vector<64xf32>
    %reduce_sum3A_154 = vector.multi_reduction <add>, %slice3A_140, %reduce_sum3A_153 [0] : vector<256x64xf32> to vector<64xf32>
    %broadcast_in_dim3A_155 = vector.shape_cast %reduce_sum3A_154 : vector<64xf32> to vector<1x64xf32>
    %add3A_156 = arith.addf %add3A_139, %broadcast_in_dim3A_155 : vector<1x64xf32>
    %concatenate3A = tpu.concatenate %sub3A_33, %sub3A_50, %sub3A_67, %sub3A_84, %sub3A_101, %sub3A_118, %sub3A_135, %sub3A_152 in 0 : vector<256x1xf32>, vector<256x1xf32>, vector<256x1xf32>, vector<256x1xf32>, vector<256x1xf32>, vector<256x1xf32>, vector<256x1xf32>, vector<256x1xf32> -> vector<2048x1xf32>
    %add3A_157 = arith.constant 7.000000e+00 : f32
    %add3A_158 = vector.broadcast %add3A_157 : f32 to vector<1x64xf32>
    %add3A_159 = arith.addf %add3A_156, %add3A_158 : vector<1x64xf32>
    %div3A_160 = arith.constant 8.000000e+00 : f32
    %div3A_161 = vector.broadcast %div3A_160 : f32 to vector<1x64xf32>
    %div3A_162 = arith.divf %add3A_159, %div3A_161 : vector<1x64xf32>
    %floor3A = math.floor %div3A_162 : vector<1x64xf32>
    %mul3A_163 = arith.constant 8.000000e+00 : f32
    %mul3A_164 = vector.broadcast %mul3A_163 : f32 to vector<1x64xf32>
    %mul3A_165 = arith.mulf %floor3A, %mul3A_164 : vector<1x64xf32>
    %iota3A_166 = tpu.iota {dimensions = array<i32: 0>} : vector<64x64xi32>
    %iota3A_167 = tpu.iota {dimensions = array<i32: 1>} : vector<64x64xi32>
    %lt3A = arith.cmpi slt, %iota3A_166, %iota3A_167 : vector<64x64xi32>
    %convert_element_type3A_168 = arith.extui %lt3A : vector<64x64xi1> to vector<64x64xi32>
    %convert_element_type3A_169 = arith.sitofp %convert_element_type3A_168 : vector<64x64xi32> to vector<64x64xf32>
    %dot_general3A_170 = arith.constant dense<0.000000e+00> : vector<1x64xf32>
    %dot_general3A_171 = tpu.matmul %mul3A_165, %convert_element_type3A_169, %dot_general3A_170 {dimension_numbers = #tpu.dot_dimension_numbers<[1], [0], [0], [1], [0, 0, 1, 1], [], []>, transpose_lhs_hint = false} : vector<1x64xf32>, vector<64x64xf32>, vector<1x64xf32> -> vector<1x64xf32>
    %round3A_172 = math.roundeven %dot_general3A_171 : vector<1x64xf32>
    %add3A_173 = arith.constant 1.270000e+02 : f32
    %add3A_174 = vector.broadcast %add3A_173 : f32 to vector<1x64xf32>
    %add3A_175 = arith.addf %add3A_156, %add3A_174 : vector<1x64xf32>
    %div3A_176 = arith.constant 1.280000e+02 : f32
    %div3A_177 = vector.broadcast %div3A_176 : f32 to vector<1x64xf32>
    %div3A_178 = arith.divf %add3A_175, %div3A_177 : vector<1x64xf32>
    %floor3A_179 = math.floor %div3A_178 : vector<1x64xf32>
    %dot_general3A_180 = arith.constant dense<0.000000e+00> : vector<1x64xf32>
    %dot_general3A_181 = tpu.matmul %floor3A_179, %convert_element_type3A_169, %dot_general3A_180 {dimension_numbers = #tpu.dot_dimension_numbers<[1], [0], [0], [1], [0, 0, 1, 1], [], []>, transpose_lhs_hint = false} : vector<1x64xf32>, vector<64x64xf32>, vector<1x64xf32> -> vector<1x64xf32>
    %round3A_182 = math.roundeven %dot_general3A_181 : vector<1x64xf32>
    %transpose3A = tpu.transpose %round3A_172, [1, 0] : vector<1x64xf32> -> vector<64x1xf32>
    %transpose3A_183 = tpu.transpose %add3A_156, [1, 0] : vector<1x64xf32> -> vector<64x1xf32>
    %dot_general3A_184 = arith.constant dense<0.000000e+00> : vector<2048x1xf32>
    %dot_general3A_185 = tpu.matmul %convert_element_type3A_18, %transpose3A, %dot_general3A_184 {dimension_numbers = #tpu.dot_dimension_numbers<[1], [0], [0], [1], [0, 0, 1, 1], [], []>, precision = #tpu.contract_precision<fp32>, transpose_lhs_hint = false} : vector<2048x64xf32>, vector<64x1xf32>, vector<2048x1xf32> -> vector<2048x1xf32>
    %add3A_186 = arith.addf %dot_general3A_185, %concatenate3A : vector<2048x1xf32>
    %round3A_187 = math.roundeven %add3A_186 : vector<2048x1xf32>
    %convert_element_type3A_188 = arith.fptosi %round3A_187 : vector<2048x1xf32> to vector<2048x1xi32>
    %swap3A = arith.constant 0 : index
    %swap3A_189 = arith.constant 0 : index
    %swap3A_190 = vector.load %arg2[%swap3A, %swap3A_189] : memref<2048x1xi32, #tpu.memory_space<vmem>>, vector<2048x1xi32>
    tpu.vector_store %arg2[%swap3A, %swap3A_189], %convert_element_type3A_188 {strides = array<i32>} : memref<2048x1xi32, #tpu.memory_space<vmem>>, vector<2048x1xi32>,
    %convert_element_type3A_191 = arith.fptosi %round3A_187 : vector<2048x1xf32> to vector<2048x1xi32>
    %transpose3A_192 = tpu.transpose %convert_element_type3A_191, [1, 0] : vector<2048x1xi32> -> vector<1x2048xi32>
    %convert_element_type3A_193 = arith.truncf %div3A_15 : vector<2048x1xf32> to vector<2048x1xbf16>
    %convert_element_type3A_194 = arith.extf %convert_element_type3A_193 : vector<2048x1xbf16> to vector<2048x1xf32>
    %sub3A_195 = arith.subf %div3A_15, %convert_element_type3A_194 : vector<2048x1xf32>
    %convert_element_type3A_196 = arith.truncf %sub3A_195 : vector<2048x1xf32> to vector<2048x1xbf16>
    %iota3A_197 = tpu.iota {dimensions = array<i32: 0>} : vector<512x2048xi32>
    %sub3A_198 = arith.constant 0 : i32
    %sub3A_199 = vector.broadcast %sub3A_198 : i32 to vector<1x2048xi32>
    %sub3A_200 = arith.subi %transpose3A_192, %sub3A_199 : vector<1x2048xi32>
    %eq3A_201 = vector.broadcast %sub3A_200 : vector<1x2048xi32> to vector<512x2048xi32>
    %eq3A_202 = arith.cmpi eq, %iota3A_197, %eq3A_201 : vector<512x2048xi32>
    %convert_element_type3A_203 = arith.extui %eq3A_202 : vector<512x2048xi1> to vector<512x2048xi32>
    %convert_element_type3A_204 = arith.sitofp %convert_element_type3A_203 : vector<512x2048xi32> to vector<512x2048xf32>
    %convert_element_type3A_205 = arith.truncf %convert_element_type3A_204 : vector<512x2048xf32> to vector<512x2048xbf16>
    %dot_general3A_206 = arith.constant dense<0.000000e+00> : vector<512x1xf32>
    %dot_general3A_207 = tpu.matmul %convert_element_type3A_205, %convert_element_type3A_193, %dot_general3A_206 {dimension_numbers = #tpu.dot_dimension_numbers<[1], [0], [0], [1], [0, 0, 1, 1], [], []>, transpose_lhs_hint = false} : vector<512x2048xbf16>, vector<2048x1xbf16>, vector<512x1xf32> -> vector<512x1xf32>
    %dot_general3A_208 = arith.constant dense<0.000000e+00> : vector<512x1xf32>
    %dot_general3A_209 = tpu.matmul %convert_element_type3A_205, %convert_element_type3A_196, %dot_general3A_208 {dimension_numbers = #tpu.dot_dimension_numbers<[1], [0], [0], [1], [0, 0, 1, 1], [], []>, transpose_lhs_hint = false} : vector<512x2048xbf16>, vector<2048x1xbf16>, vector<512x1xf32> -> vector<512x1xf32>
    %add3A_210 = arith.addf %dot_general3A_207, %dot_general3A_209 : vector<512x1xf32>
    %sub3A_211 = arith.constant 512 : i32
    %sub3A_212 = vector.broadcast %sub3A_211 : i32 to vector<1x2048xi32>
    %sub3A_213 = arith.subi %transpose3A_192, %sub3A_212 : vector<1x2048xi32>
    %eq3A_214 = vector.broadcast %sub3A_213 : vector<1x2048xi32> to vector<512x2048xi32>
    %eq3A_215 = arith.cmpi eq, %iota3A_197, %eq3A_214 : vector<512x2048xi32>
    %convert_element_type3A_216 = arith.extui %eq3A_215 : vector<512x2048xi1> to vector<512x2048xi32>
    %convert_element_type3A_217 = arith.sitofp %convert_element_type3A_216 : vector<512x2048xi32> to vector<512x2048xf32>
    %convert_element_type3A_218 = arith.truncf %convert_element_type3A_217 : vector<512x2048xf32> to vector<512x2048xbf16>
    %dot_general3A_219 = arith.constant dense<0.000000e+00> : vector<512x1xf32>
    %dot_general3A_220 = tpu.matmul %convert_element_type3A_218, %convert_element_type3A_193, %dot_general3A_219 {dimension_numbers = #tpu.dot_dimension_numbers<[1], [0], [0], [1], [0, 0, 1, 1], [], []>, transpose_lhs_hint = false} : vector<512x2048xbf16>, vector<2048x1xbf16>, vector<512x1xf32> -> vector<512x1xf32>
    %dot_general3A_221 = arith.constant dense<0.000000e+00> : vector<512x1xf32>
    %dot_general3A_222 = tpu.matmul %convert_element_type3A_218, %convert_element_type3A_196, %dot_general3A_221 {dimension_numbers = #tpu.dot_dimension_numbers<[1], [0], [0], [1], [0, 0, 1, 1], [], []>, transpose_lhs_hint = false} : vector<512x2048xbf16>, vector<2048x1xbf16>, vector<512x1xf32> -> vector<512x1xf32>
    %add3A_223 = arith.addf %dot_general3A_220, %dot_general3A_222 : vector<512x1xf32>
    %sub3A_224 = arith.constant 1024 : i32
    %sub3A_225 = vector.broadcast %sub3A_224 : i32 to vector<1x2048xi32>
    %sub3A_226 = arith.subi %transpose3A_192, %sub3A_225 : vector<1x2048xi32>
    %eq3A_227 = vector.broadcast %sub3A_226 : vector<1x2048xi32> to vector<512x2048xi32>
    %eq3A_228 = arith.cmpi eq, %iota3A_197, %eq3A_227 : vector<512x2048xi32>
    %convert_element_type3A_229 = arith.extui %eq3A_228 : vector<512x2048xi1> to vector<512x2048xi32>
    %convert_element_type3A_230 = arith.sitofp %convert_element_type3A_229 : vector<512x2048xi32> to vector<512x2048xf32>
    %convert_element_type3A_231 = arith.truncf %convert_element_type3A_230 : vector<512x2048xf32> to vector<512x2048xbf16>
    %dot_general3A_232 = arith.constant dense<0.000000e+00> : vector<512x1xf32>
    %dot_general3A_233 = tpu.matmul %convert_element_type3A_231, %convert_element_type3A_193, %dot_general3A_232 {dimension_numbers = #tpu.dot_dimension_numbers<[1], [0], [0], [1], [0, 0, 1, 1], [], []>, transpose_lhs_hint = false} : vector<512x2048xbf16>, vector<2048x1xbf16>, vector<512x1xf32> -> vector<512x1xf32>
    %dot_general3A_234 = arith.constant dense<0.000000e+00> : vector<512x1xf32>
    %dot_general3A_235 = tpu.matmul %convert_element_type3A_231, %convert_element_type3A_196, %dot_general3A_234 {dimension_numbers = #tpu.dot_dimension_numbers<[1], [0], [0], [1], [0, 0, 1, 1], [], []>, transpose_lhs_hint = false} : vector<512x2048xbf16>, vector<2048x1xbf16>, vector<512x1xf32> -> vector<512x1xf32>
    %add3A_236 = arith.addf %dot_general3A_233, %dot_general3A_235 : vector<512x1xf32>
    %sub3A_237 = arith.constant 1536 : i32
    %sub3A_238 = vector.broadcast %sub3A_237 : i32 to vector<1x2048xi32>
    %sub3A_239 = arith.subi %transpose3A_192, %sub3A_238 : vector<1x2048xi32>
    %eq3A_240 = vector.broadcast %sub3A_239 : vector<1x2048xi32> to vector<512x2048xi32>
    %eq3A_241 = arith.cmpi eq, %iota3A_197, %eq3A_240 : vector<512x2048xi32>
    %convert_element_type3A_242 = arith.extui %eq3A_241 : vector<512x2048xi1> to vector<512x2048xi32>
    %convert_element_type3A_243 = arith.sitofp %convert_element_type3A_242 : vector<512x2048xi32> to vector<512x2048xf32>
    %convert_element_type3A_244 = arith.truncf %convert_element_type3A_243 : vector<512x2048xf32> to vector<512x2048xbf16>
    %dot_general3A_245 = arith.constant dense<0.000000e+00> : vector<512x1xf32>
    %dot_general3A_246 = tpu.matmul %convert_element_type3A_244, %convert_element_type3A_193, %dot_general3A_245 {dimension_numbers = #tpu.dot_dimension_numbers<[1], [0], [0], [1], [0, 0, 1, 1], [], []>, transpose_lhs_hint = false} : vector<512x2048xbf16>, vector<2048x1xbf16>, vector<512x1xf32> -> vector<512x1xf32>
    %dot_general3A_247 = arith.constant dense<0.000000e+00> : vector<512x1xf32>
    %dot_general3A_248 = tpu.matmul %convert_element_type3A_244, %convert_element_type3A_196, %dot_general3A_247 {dimension_numbers = #tpu.dot_dimension_numbers<[1], [0], [0], [1], [0, 0, 1, 1], [], []>, transpose_lhs_hint = false} : vector<512x2048xbf16>, vector<2048x1xbf16>, vector<512x1xf32> -> vector<512x1xf32>
    %add3A_249 = arith.addf %dot_general3A_246, %dot_general3A_248 : vector<512x1xf32>
    %sub3A_250 = arith.constant 2048 : i32
    %sub3A_251 = vector.broadcast %sub3A_250 : i32 to vector<1x2048xi32>
    %sub3A_252 = arith.subi %transpose3A_192, %sub3A_251 : vector<1x2048xi32>
    %eq3A_253 = vector.broadcast %sub3A_252 : vector<1x2048xi32> to vector<512x2048xi32>
    %eq3A_254 = arith.cmpi eq, %iota3A_197, %eq3A_253 : vector<512x2048xi32>
    %convert_element_type3A_255 = arith.extui %eq3A_254 : vector<512x2048xi1> to vector<512x2048xi32>
    %convert_element_type3A_256 = arith.sitofp %convert_element_type3A_255 : vector<512x2048xi32> to vector<512x2048xf32>
    %convert_element_type3A_257 = arith.truncf %convert_element_type3A_256 : vector<512x2048xf32> to vector<512x2048xbf16>
    %dot_general3A_258 = arith.constant dense<0.000000e+00> : vector<512x1xf32>
    %dot_general3A_259 = tpu.matmul %convert_element_type3A_257, %convert_element_type3A_193, %dot_general3A_258 {dimension_numbers = #tpu.dot_dimension_numbers<[1], [0], [0], [1], [0, 0, 1, 1], [], []>, transpose_lhs_hint = false} : vector<512x2048xbf16>, vector<2048x1xbf16>, vector<512x1xf32> -> vector<512x1xf32>
    %dot_general3A_260 = arith.constant dense<0.000000e+00> : vector<512x1xf32>
    %dot_general3A_261 = tpu.matmul %convert_element_type3A_257, %convert_element_type3A_196, %dot_general3A_260 {dimension_numbers = #tpu.dot_dimension_numbers<[1], [0], [0], [1], [0, 0, 1, 1], [], []>, transpose_lhs_hint = false} : vector<512x2048xbf16>, vector<2048x1xbf16>, vector<512x1xf32> -> vector<512x1xf32>
    %add3A_262 = arith.addf %dot_general3A_259, %dot_general3A_261 : vector<512x1xf32>
    %concatenate3A_263 = tpu.concatenate %add3A_210, %add3A_223, %add3A_236, %add3A_249, %add3A_262 in 0 : vector<512x1xf32>, vector<512x1xf32>, vector<512x1xf32>, vector<512x1xf32>, vector<512x1xf32> -> vector<2560x1xf32>
    %swap3A_264 = arith.constant 0 : index
    %swap3A_265 = arith.constant 0 : index
    %swap3A_266 = vector.load %arg3[%swap3A_264, %swap3A_265] : memref<2560x1xf32, #tpu.memory_space<vmem>>, vector<2560x1xf32>
    tpu.vector_store %arg3[%swap3A_264, %swap3A_265], %concatenate3A_263 {strides = array<i32>} : memref<2560x1xf32, #tpu.memory_space<vmem>>, vector<2560x1xf32>,
    %iota3A_267 = tpu.iota {dimensions = array<i32: 0>} : vector<64x1xi32>
    %convert_element_type3A_268 = arith.sitofp %iota3A_267 : vector<64x1xi32> to vector<64x1xf32>
    %iota3A_269 = tpu.iota {dimensions = array<i32: 0>} : vector<80x64xi32>
    %convert_element_type3A_270 = arith.sitofp %iota3A_269 : vector<80x64xi32> to vector<80x64xf32>
    %broadcast_in_dim3A_271 = arith.constant 0.000000e+00 : f32
    %broadcast_in_dim3A_272 = vector.broadcast %broadcast_in_dim3A_271 : f32 to vector<80x3xf32>
    %add3A_273 = arith.constant 0.000000e+00 : f32
    %add3A_274 = vector.broadcast %add3A_273 : f32 to vector<1x64xf32>
    %add3A_275 = arith.addf %round3A_182, %add3A_274 : vector<1x64xf32>
    %eq3A_276 = vector.broadcast %add3A_275 : vector<1x64xf32> to vector<80x64xf32>
    %eq3A_277 = arith.cmpf oeq, %convert_element_type3A_270, %eq3A_276 : vector<80x64xf32>
    %gt3A = arith.constant 0.000000e+00 : f32
    %gt3A_278 = vector.broadcast %gt3A : f32 to vector<1x64xf32>
    %gt3A_279 = arith.cmpf ogt, %floor3A_179, %gt3A_278 : vector<1x64xf32>
    %and3A = vector.broadcast %gt3A_279 : vector<1x64xi1> to vector<80x64xi1>
    %and3A_280 = arith.andi %eq3A_277, %and3A : vector<80x64xi1>
    %convert_element_type3A_281 = arith.extui %and3A_280 : vector<80x64xi1> to vector<80x64xi32>
    %convert_element_type3A_282 = arith.sitofp %convert_element_type3A_281 : vector<80x64xi32> to vector<80x64xf32>
    %add3A_283 = arith.constant 0.000000e+00 : f32
    %add3A_284 = vector.broadcast %add3A_283 : f32 to vector<64x1xf32>
    %add3A_285 = arith.addf %transpose3A, %add3A_284 : vector<64x1xf32>
    %sub3A_286 = arith.constant 0.000000e+00 : f32
    %sub3A_287 = vector.broadcast %sub3A_286 : f32 to vector<64x1xf32>
    %sub3A_288 = arith.subf %transpose3A_183, %sub3A_287 : vector<64x1xf32>
    %jit3A_289 = arith.constant 0.000000e+00 : f32
    %jit3A_290 = arith.constant 1.280000e+02 : f32
    %max3A = vector.broadcast %jit3A_289 : f32 to vector<64x1xf32>
    %max3A_291 = arith.maximumf %max3A, %sub3A_288 : vector<64x1xf32>
    %min3A = vector.broadcast %jit3A_290 : f32 to vector<64x1xf32>
    %min3A_292 = arith.minimumf %min3A, %max3A_291 : vector<64x1xf32>
    %concatenate3A_293 = tpu.concatenate %convert_element_type3A_268, %add3A_285, %min3A_292 in 1 : vector<64x1xf32>, vector<64x1xf32>, vector<64x1xf32> -> vector<64x3xf32>
    %dot_general3A_294 = arith.constant dense<0.000000e+00> : vector<80x3xf32>
    %dot_general3A_295 = tpu.matmul %convert_element_type3A_282, %concatenate3A_293, %dot_general3A_294 {dimension_numbers = #tpu.dot_dimension_numbers<[1], [0], [0], [1], [0, 0, 1, 1], [], []>, precision = #tpu.contract_precision<fp32>, transpose_lhs_hint = false} : vector<80x64xf32>, vector<64x3xf32>, vector<80x3xf32> -> vector<80x3xf32>
    %add3A_296 = arith.addf %broadcast_in_dim3A_272, %dot_general3A_295 : vector<80x3xf32>
    %add3A_297 = arith.constant 1.000000e+00 : f32
    %add3A_298 = vector.broadcast %add3A_297 : f32 to vector<1x64xf32>
    %add3A_299 = arith.addf %round3A_182, %add3A_298 : vector<1x64xf32>
    %eq3A_300 = vector.broadcast %add3A_299 : vector<1x64xf32> to vector<80x64xf32>
    %eq3A_301 = arith.cmpf oeq, %convert_element_type3A_270, %eq3A_300 : vector<80x64xf32>
    %gt3A_302 = arith.constant 1.000000e+00 : f32
    %gt3A_303 = vector.broadcast %gt3A_302 : f32 to vector<1x64xf32>
    %gt3A_304 = arith.cmpf ogt, %floor3A_179, %gt3A_303 : vector<1x64xf32>
    %and3A_305 = vector.broadcast %gt3A_304 : vector<1x64xi1> to vector<80x64xi1>
    %and3A_306 = arith.andi %eq3A_301, %and3A_305 : vector<80x64xi1>
    %convert_element_type3A_307 = arith.extui %and3A_306 : vector<80x64xi1> to vector<80x64xi32>
    %convert_element_type3A_308 = arith.sitofp %convert_element_type3A_307 : vector<80x64xi32> to vector<80x64xf32>
    %add3A_309 = arith.constant 1.280000e+02 : f32
    %add3A_310 = vector.broadcast %add3A_309 : f32 to vector<64x1xf32>
    %add3A_311 = arith.addf %transpose3A, %add3A_310 : vector<64x1xf32>
    %sub3A_312 = arith.constant 1.280000e+02 : f32
    %sub3A_313 = vector.broadcast %sub3A_312 : f32 to vector<64x1xf32>
    %sub3A_314 = arith.subf %transpose3A_183, %sub3A_313 : vector<64x1xf32>
    %jit3A_315 = arith.constant 0.000000e+00 : f32
    %jit3A_316 = arith.constant 1.280000e+02 : f32
    %max3A_317 = vector.broadcast %jit3A_315 : f32 to vector<64x1xf32>
    %max3A_318 = arith.maximumf %max3A_317, %sub3A_314 : vector<64x1xf32>
    %min3A_319 = vector.broadcast %jit3A_316 : f32 to vector<64x1xf32>
    %min3A_320 = arith.minimumf %min3A_319, %max3A_318 : vector<64x1xf32>
    %concatenate3A_321 = tpu.concatenate %convert_element_type3A_268, %add3A_311, %min3A_320 in 1 : vector<64x1xf32>, vector<64x1xf32>, vector<64x1xf32> -> vector<64x3xf32>
    %dot_general3A_322 = arith.constant dense<0.000000e+00> : vector<80x3xf32>
    %dot_general3A_323 = tpu.matmul %convert_element_type3A_308, %concatenate3A_321, %dot_general3A_322 {dimension_numbers = #tpu.dot_dimension_numbers<[1], [0], [0], [1], [0, 0, 1, 1], [], []>, precision = #tpu.contract_precision<fp32>, transpose_lhs_hint = false} : vector<80x64xf32>, vector<64x3xf32>, vector<80x3xf32> -> vector<80x3xf32>
    %add3A_324 = arith.addf %add3A_296, %dot_general3A_323 : vector<80x3xf32>
    %add3A_325 = arith.constant 2.000000e+00 : f32
    %add3A_326 = vector.broadcast %add3A_325 : f32 to vector<1x64xf32>
    %add3A_327 = arith.addf %round3A_182, %add3A_326 : vector<1x64xf32>
    %eq3A_328 = vector.broadcast %add3A_327 : vector<1x64xf32> to vector<80x64xf32>
    %eq3A_329 = arith.cmpf oeq, %convert_element_type3A_270, %eq3A_328 : vector<80x64xf32>
    %gt3A_330 = arith.constant 2.000000e+00 : f32
    %gt3A_331 = vector.broadcast %gt3A_330 : f32 to vector<1x64xf32>
    %gt3A_332 = arith.cmpf ogt, %floor3A_179, %gt3A_331 : vector<1x64xf32>
    %and3A_333 = vector.broadcast %gt3A_332 : vector<1x64xi1> to vector<80x64xi1>
    %and3A_334 = arith.andi %eq3A_329, %and3A_333 : vector<80x64xi1>
    %convert_element_type3A_335 = arith.extui %and3A_334 : vector<80x64xi1> to vector<80x64xi32>
    %convert_element_type3A_336 = arith.sitofp %convert_element_type3A_335 : vector<80x64xi32> to vector<80x64xf32>
    %add3A_337 = arith.constant 2.560000e+02 : f32
    %add3A_338 = vector.broadcast %add3A_337 : f32 to vector<64x1xf32>
    %add3A_339 = arith.addf %transpose3A, %add3A_338 : vector<64x1xf32>
    %sub3A_340 = arith.constant 2.560000e+02 : f32
    %sub3A_341 = vector.broadcast %sub3A_340 : f32 to vector<64x1xf32>
    %sub3A_342 = arith.subf %transpose3A_183, %sub3A_341 : vector<64x1xf32>
    %jit3A_343 = arith.constant 0.000000e+00 : f32
    %jit3A_344 = arith.constant 1.280000e+02 : f32
    %max3A_345 = vector.broadcast %jit3A_343 : f32 to vector<64x1xf32>
    %max3A_346 = arith.maximumf %max3A_345, %sub3A_342 : vector<64x1xf32>
    %min3A_347 = vector.broadcast %jit3A_344 : f32 to vector<64x1xf32>
    %min3A_348 = arith.minimumf %min3A_347, %max3A_346 : vector<64x1xf32>
    %concatenate3A_349 = tpu.concatenate %convert_element_type3A_268, %add3A_339, %min3A_348 in 1 : vector<64x1xf32>, vector<64x1xf32>, vector<64x1xf32> -> vector<64x3xf32>
    %dot_general3A_350 = arith.constant dense<0.000000e+00> : vector<80x3xf32>
    %dot_general3A_351 = tpu.matmul %convert_element_type3A_336, %concatenate3A_349, %dot_general3A_350 {dimension_numbers = #tpu.dot_dimension_numbers<[1], [0], [0], [1], [0, 0, 1, 1], [], []>, precision = #tpu.contract_precision<fp32>, transpose_lhs_hint = false} : vector<80x64xf32>, vector<64x3xf32>, vector<80x3xf32> -> vector<80x3xf32>
    %add3A_352 = arith.addf %add3A_324, %dot_general3A_351 : vector<80x3xf32>
    %add3A_353 = arith.constant 3.000000e+00 : f32
    %add3A_354 = vector.broadcast %add3A_353 : f32 to vector<1x64xf32>
    %add3A_355 = arith.addf %round3A_182, %add3A_354 : vector<1x64xf32>
    %eq3A_356 = vector.broadcast %add3A_355 : vector<1x64xf32> to vector<80x64xf32>
    %eq3A_357 = arith.cmpf oeq, %convert_element_type3A_270, %eq3A_356 : vector<80x64xf32>
    %gt3A_358 = arith.constant 3.000000e+00 : f32
    %gt3A_359 = vector.broadcast %gt3A_358 : f32 to vector<1x64xf32>
    %gt3A_360 = arith.cmpf ogt, %floor3A_179, %gt3A_359 : vector<1x64xf32>
    %and3A_361 = vector.broadcast %gt3A_360 : vector<1x64xi1> to vector<80x64xi1>
    %and3A_362 = arith.andi %eq3A_357, %and3A_361 : vector<80x64xi1>
    %convert_element_type3A_363 = arith.extui %and3A_362 : vector<80x64xi1> to vector<80x64xi32>
    %convert_element_type3A_364 = arith.sitofp %convert_element_type3A_363 : vector<80x64xi32> to vector<80x64xf32>
    %add3A_365 = arith.constant 3.840000e+02 : f32
    %add3A_366 = vector.broadcast %add3A_365 : f32 to vector<64x1xf32>
    %add3A_367 = arith.addf %transpose3A, %add3A_366 : vector<64x1xf32>
    %sub3A_368 = arith.constant 3.840000e+02 : f32
    %sub3A_369 = vector.broadcast %sub3A_368 : f32 to vector<64x1xf32>
    %sub3A_370 = arith.subf %transpose3A_183, %sub3A_369 : vector<64x1xf32>
    %jit3A_371 = arith.constant 0.000000e+00 : f32
    %jit3A_372 = arith.constant 1.280000e+02 : f32
    %max3A_373 = vector.broadcast %jit3A_371 : f32 to vector<64x1xf32>
    %max3A_374 = arith.maximumf %max3A_373, %sub3A_370 : vector<64x1xf32>
    %min3A_375 = vector.broadcast %jit3A_372 : f32 to vector<64x1xf32>
    %min3A_376 = arith.minimumf %min3A_375, %max3A_374 : vector<64x1xf32>
    %concatenate3A_377 = tpu.concatenate %convert_element_type3A_268, %add3A_367, %min3A_376 in 1 : vector<64x1xf32>, vector<64x1xf32>, vector<64x1xf32> -> vector<64x3xf32>
    %dot_general3A_378 = arith.constant dense<0.000000e+00> : vector<80x3xf32>
    %dot_general3A_379 = tpu.matmul %convert_element_type3A_364, %concatenate3A_377, %dot_general3A_378 {dimension_numbers = #tpu.dot_dimension_numbers<[1], [0], [0], [1], [0, 0, 1, 1], [], []>, precision = #tpu.contract_precision<fp32>, transpose_lhs_hint = false} : vector<80x64xf32>, vector<64x3xf32>, vector<80x3xf32> -> vector<80x3xf32>
    %add3A_380 = arith.addf %add3A_352, %dot_general3A_379 : vector<80x3xf32>
    %add3A_381 = arith.constant 4.000000e+00 : f32
    %add3A_382 = vector.broadcast %add3A_381 : f32 to vector<1x64xf32>
    %add3A_383 = arith.addf %round3A_182, %add3A_382 : vector<1x64xf32>
    %eq3A_384 = vector.broadcast %add3A_383 : vector<1x64xf32> to vector<80x64xf32>
    %eq3A_385 = arith.cmpf oeq, %convert_element_type3A_270, %eq3A_384 : vector<80x64xf32>
    %gt3A_386 = arith.constant 4.000000e+00 : f32
    %gt3A_387 = vector.broadcast %gt3A_386 : f32 to vector<1x64xf32>
    %gt3A_388 = arith.cmpf ogt, %floor3A_179, %gt3A_387 : vector<1x64xf32>
    %and3A_389 = vector.broadcast %gt3A_388 : vector<1x64xi1> to vector<80x64xi1>
    %and3A_390 = arith.andi %eq3A_385, %and3A_389 : vector<80x64xi1>
    %convert_element_type3A_391 = arith.extui %and3A_390 : vector<80x64xi1> to vector<80x64xi32>
    %convert_element_type3A_392 = arith.sitofp %convert_element_type3A_391 : vector<80x64xi32> to vector<80x64xf32>
    %add3A_393 = arith.constant 5.120000e+02 : f32
    %add3A_394 = vector.broadcast %add3A_393 : f32 to vector<64x1xf32>
    %add3A_395 = arith.addf %transpose3A, %add3A_394 : vector<64x1xf32>
    %sub3A_396 = arith.constant 5.120000e+02 : f32
    %sub3A_397 = vector.broadcast %sub3A_396 : f32 to vector<64x1xf32>
    %sub3A_398 = arith.subf %transpose3A_183, %sub3A_397 : vector<64x1xf32>
    %jit3A_399 = arith.constant 0.000000e+00 : f32
    %jit3A_400 = arith.constant 1.280000e+02 : f32
    %max3A_401 = vector.broadcast %jit3A_399 : f32 to vector<64x1xf32>
    %max3A_402 = arith.maximumf %max3A_401, %sub3A_398 : vector<64x1xf32>
    %min3A_403 = vector.broadcast %jit3A_400 : f32 to vector<64x1xf32>
    %min3A_404 = arith.minimumf %min3A_403, %max3A_402 : vector<64x1xf32>
    %concatenate3A_405 = tpu.concatenate %convert_element_type3A_268, %add3A_395, %min3A_404 in 1 : vector<64x1xf32>, vector<64x1xf32>, vector<64x1xf32> -> vector<64x3xf32>
    %dot_general3A_406 = arith.constant dense<0.000000e+00> : vector<80x3xf32>
    %dot_general3A_407 = tpu.matmul %convert_element_type3A_392, %concatenate3A_405, %dot_general3A_406 {dimension_numbers = #tpu.dot_dimension_numbers<[1], [0], [0], [1], [0, 0, 1, 1], [], []>, precision = #tpu.contract_precision<fp32>, transpose_lhs_hint = false} : vector<80x64xf32>, vector<64x3xf32>, vector<80x3xf32> -> vector<80x3xf32>
    %add3A_408 = arith.addf %add3A_380, %dot_general3A_407 : vector<80x3xf32>
    %add3A_409 = arith.constant 5.000000e+00 : f32
    %add3A_410 = vector.broadcast %add3A_409 : f32 to vector<1x64xf32>
    %add3A_411 = arith.addf %round3A_182, %add3A_410 : vector<1x64xf32>
    %eq3A_412 = vector.broadcast %add3A_411 : vector<1x64xf32> to vector<80x64xf32>
    %eq3A_413 = arith.cmpf oeq, %convert_element_type3A_270, %eq3A_412 : vector<80x64xf32>
    %gt3A_414 = arith.constant 5.000000e+00 : f32
    %gt3A_415 = vector.broadcast %gt3A_414 : f32 to vector<1x64xf32>
    %gt3A_416 = arith.cmpf ogt, %floor3A_179, %gt3A_415 : vector<1x64xf32>
    %and3A_417 = vector.broadcast %gt3A_416 : vector<1x64xi1> to vector<80x64xi1>
    %and3A_418 = arith.andi %eq3A_413, %and3A_417 : vector<80x64xi1>
    %convert_element_type3A_419 = arith.extui %and3A_418 : vector<80x64xi1> to vector<80x64xi32>
    %convert_element_type3A_420 = arith.sitofp %convert_element_type3A_419 : vector<80x64xi32> to vector<80x64xf32>
    %add3A_421 = arith.constant 6.400000e+02 : f32
    %add3A_422 = vector.broadcast %add3A_421 : f32 to vector<64x1xf32>
    %add3A_423 = arith.addf %transpose3A, %add3A_422 : vector<64x1xf32>
    %sub3A_424 = arith.constant 6.400000e+02 : f32
    %sub3A_425 = vector.broadcast %sub3A_424 : f32 to vector<64x1xf32>
    %sub3A_426 = arith.subf %transpose3A_183, %sub3A_425 : vector<64x1xf32>
    %jit3A_427 = arith.constant 0.000000e+00 : f32
    %jit3A_428 = arith.constant 1.280000e+02 : f32
    %max3A_429 = vector.broadcast %jit3A_427 : f32 to vector<64x1xf32>
    %max3A_430 = arith.maximumf %max3A_429, %sub3A_426 : vector<64x1xf32>
    %min3A_431 = vector.broadcast %jit3A_428 : f32 to vector<64x1xf32>
    %min3A_432 = arith.minimumf %min3A_431, %max3A_430 : vector<64x1xf32>
    %concatenate3A_433 = tpu.concatenate %convert_element_type3A_268, %add3A_423, %min3A_432 in 1 : vector<64x1xf32>, vector<64x1xf32>, vector<64x1xf32> -> vector<64x3xf32>
    %dot_general3A_434 = arith.constant dense<0.000000e+00> : vector<80x3xf32>
    %dot_general3A_435 = tpu.matmul %convert_element_type3A_420, %concatenate3A_433, %dot_general3A_434 {dimension_numbers = #tpu.dot_dimension_numbers<[1], [0], [0], [1], [0, 0, 1, 1], [], []>, precision = #tpu.contract_precision<fp32>, transpose_lhs_hint = false} : vector<80x64xf32>, vector<64x3xf32>, vector<80x3xf32> -> vector<80x3xf32>
    %add3A_436 = arith.addf %add3A_408, %dot_general3A_435 : vector<80x3xf32>
    %add3A_437 = arith.constant 6.000000e+00 : f32
    %add3A_438 = vector.broadcast %add3A_437 : f32 to vector<1x64xf32>
    %add3A_439 = arith.addf %round3A_182, %add3A_438 : vector<1x64xf32>
    %eq3A_440 = vector.broadcast %add3A_439 : vector<1x64xf32> to vector<80x64xf32>
    %eq3A_441 = arith.cmpf oeq, %convert_element_type3A_270, %eq3A_440 : vector<80x64xf32>
    %gt3A_442 = arith.constant 6.000000e+00 : f32
    %gt3A_443 = vector.broadcast %gt3A_442 : f32 to vector<1x64xf32>
    %gt3A_444 = arith.cmpf ogt, %floor3A_179, %gt3A_443 : vector<1x64xf32>
    %and3A_445 = vector.broadcast %gt3A_444 : vector<1x64xi1> to vector<80x64xi1>
    %and3A_446 = arith.andi %eq3A_441, %and3A_445 : vector<80x64xi1>
    %convert_element_type3A_447 = arith.extui %and3A_446 : vector<80x64xi1> to vector<80x64xi32>
    %convert_element_type3A_448 = arith.sitofp %convert_element_type3A_447 : vector<80x64xi32> to vector<80x64xf32>
    %add3A_449 = arith.constant 7.680000e+02 : f32
    %add3A_450 = vector.broadcast %add3A_449 : f32 to vector<64x1xf32>
    %add3A_451 = arith.addf %transpose3A, %add3A_450 : vector<64x1xf32>
    %sub3A_452 = arith.constant 7.680000e+02 : f32
    %sub3A_453 = vector.broadcast %sub3A_452 : f32 to vector<64x1xf32>
    %sub3A_454 = arith.subf %transpose3A_183, %sub3A_453 : vector<64x1xf32>
    %jit3A_455 = arith.constant 0.000000e+00 : f32
    %jit3A_456 = arith.constant 1.280000e+02 : f32
    %max3A_457 = vector.broadcast %jit3A_455 : f32 to vector<64x1xf32>
    %max3A_458 = arith.maximumf %max3A_457, %sub3A_454 : vector<64x1xf32>
    %min3A_459 = vector.broadcast %jit3A_456 : f32 to vector<64x1xf32>
    %min3A_460 = arith.minimumf %min3A_459, %max3A_458 : vector<64x1xf32>
    %concatenate3A_461 = tpu.concatenate %convert_element_type3A_268, %add3A_451, %min3A_460 in 1 : vector<64x1xf32>, vector<64x1xf32>, vector<64x1xf32> -> vector<64x3xf32>
    %dot_general3A_462 = arith.constant dense<0.000000e+00> : vector<80x3xf32>
    %dot_general3A_463 = tpu.matmul %convert_element_type3A_448, %concatenate3A_461, %dot_general3A_462 {dimension_numbers = #tpu.dot_dimension_numbers<[1], [0], [0], [1], [0, 0, 1, 1], [], []>, precision = #tpu.contract_precision<fp32>, transpose_lhs_hint = false} : vector<80x64xf32>, vector<64x3xf32>, vector<80x3xf32> -> vector<80x3xf32>
    %add3A_464 = arith.addf %add3A_436, %dot_general3A_463 : vector<80x3xf32>
    %add3A_465 = arith.constant 7.000000e+00 : f32
    %add3A_466 = vector.broadcast %add3A_465 : f32 to vector<1x64xf32>
    %add3A_467 = arith.addf %round3A_182, %add3A_466 : vector<1x64xf32>
    %eq3A_468 = vector.broadcast %add3A_467 : vector<1x64xf32> to vector<80x64xf32>
    %eq3A_469 = arith.cmpf oeq, %convert_element_type3A_270, %eq3A_468 : vector<80x64xf32>
    %gt3A_470 = arith.constant 7.000000e+00 : f32
    %gt3A_471 = vector.broadcast %gt3A_470 : f32 to vector<1x64xf32>
    %gt3A_472 = arith.cmpf ogt, %floor3A_179, %gt3A_471 : vector<1x64xf32>
    %and3A_473 = vector.broadcast %gt3A_472 : vector<1x64xi1> to vector<80x64xi1>
    %and3A_474 = arith.andi %eq3A_469, %and3A_473 : vector<80x64xi1>
    %convert_element_type3A_475 = arith.extui %and3A_474 : vector<80x64xi1> to vector<80x64xi32>
    %convert_element_type3A_476 = arith.sitofp %convert_element_type3A_475 : vector<80x64xi32> to vector<80x64xf32>
    %add3A_477 = arith.constant 8.960000e+02 : f32
    %add3A_478 = vector.broadcast %add3A_477 : f32 to vector<64x1xf32>
    %add3A_479 = arith.addf %transpose3A, %add3A_478 : vector<64x1xf32>
    %sub3A_480 = arith.constant 8.960000e+02 : f32
    %sub3A_481 = vector.broadcast %sub3A_480 : f32 to vector<64x1xf32>
    %sub3A_482 = arith.subf %transpose3A_183, %sub3A_481 : vector<64x1xf32>
    %jit3A_483 = arith.constant 0.000000e+00 : f32
    %jit3A_484 = arith.constant 1.280000e+02 : f32
    %max3A_485 = vector.broadcast %jit3A_483 : f32 to vector<64x1xf32>
    %max3A_486 = arith.maximumf %max3A_485, %sub3A_482 : vector<64x1xf32>
    %min3A_487 = vector.broadcast %jit3A_484 : f32 to vector<64x1xf32>
    %min3A_488 = arith.minimumf %min3A_487, %max3A_486 : vector<64x1xf32>
    %concatenate3A_489 = tpu.concatenate %convert_element_type3A_268, %add3A_479, %min3A_488 in 1 : vector<64x1xf32>, vector<64x1xf32>, vector<64x1xf32> -> vector<64x3xf32>
    %dot_general3A_490 = arith.constant dense<0.000000e+00> : vector<80x3xf32>
    %dot_general3A_491 = tpu.matmul %convert_element_type3A_476, %concatenate3A_489, %dot_general3A_490 {dimension_numbers = #tpu.dot_dimension_numbers<[1], [0], [0], [1], [0, 0, 1, 1], [], []>, precision = #tpu.contract_precision<fp32>, transpose_lhs_hint = false} : vector<80x64xf32>, vector<64x3xf32>, vector<80x3xf32> -> vector<80x3xf32>
    %add3A_492 = arith.addf %add3A_464, %dot_general3A_491 : vector<80x3xf32>
    %add3A_493 = arith.constant 8.000000e+00 : f32
    %add3A_494 = vector.broadcast %add3A_493 : f32 to vector<1x64xf32>
    %add3A_495 = arith.addf %round3A_182, %add3A_494 : vector<1x64xf32>
    %eq3A_496 = vector.broadcast %add3A_495 : vector<1x64xf32> to vector<80x64xf32>
    %eq3A_497 = arith.cmpf oeq, %convert_element_type3A_270, %eq3A_496 : vector<80x64xf32>
    %gt3A_498 = arith.constant 8.000000e+00 : f32
    %gt3A_499 = vector.broadcast %gt3A_498 : f32 to vector<1x64xf32>
    %gt3A_500 = arith.cmpf ogt, %floor3A_179, %gt3A_499 : vector<1x64xf32>
    %and3A_501 = vector.broadcast %gt3A_500 : vector<1x64xi1> to vector<80x64xi1>
    %and3A_502 = arith.andi %eq3A_497, %and3A_501 : vector<80x64xi1>
    %convert_element_type3A_503 = arith.extui %and3A_502 : vector<80x64xi1> to vector<80x64xi32>
    %convert_element_type3A_504 = arith.sitofp %convert_element_type3A_503 : vector<80x64xi32> to vector<80x64xf32>
    %add3A_505 = arith.constant 1.024000e+03 : f32
    %add3A_506 = vector.broadcast %add3A_505 : f32 to vector<64x1xf32>
    %add3A_507 = arith.addf %transpose3A, %add3A_506 : vector<64x1xf32>
    %sub3A_508 = arith.constant 1.024000e+03 : f32
    %sub3A_509 = vector.broadcast %sub3A_508 : f32 to vector<64x1xf32>
    %sub3A_510 = arith.subf %transpose3A_183, %sub3A_509 : vector<64x1xf32>
    %jit3A_511 = arith.constant 0.000000e+00 : f32
    %jit3A_512 = arith.constant 1.280000e+02 : f32
    %max3A_513 = vector.broadcast %jit3A_511 : f32 to vector<64x1xf32>
    %max3A_514 = arith.maximumf %max3A_513, %sub3A_510 : vector<64x1xf32>
    %min3A_515 = vector.broadcast %jit3A_512 : f32 to vector<64x1xf32>
    %min3A_516 = arith.minimumf %min3A_515, %max3A_514 : vector<64x1xf32>
    %concatenate3A_517 = tpu.concatenate %convert_element_type3A_268, %add3A_507, %min3A_516 in 1 : vector<64x1xf32>, vector<64x1xf32>, vector<64x1xf32> -> vector<64x3xf32>
    %dot_general3A_518 = arith.constant dense<0.000000e+00> : vector<80x3xf32>
    %dot_general3A_519 = tpu.matmul %convert_element_type3A_504, %concatenate3A_517, %dot_general3A_518 {dimension_numbers = #tpu.dot_dimension_numbers<[1], [0], [0], [1], [0, 0, 1, 1], [], []>, precision = #tpu.contract_precision<fp32>, transpose_lhs_hint = false} : vector<80x64xf32>, vector<64x3xf32>, vector<80x3xf32> -> vector<80x3xf32>
    %add3A_520 = arith.addf %add3A_492, %dot_general3A_519 : vector<80x3xf32>
    %add3A_521 = arith.constant 9.000000e+00 : f32
    %add3A_522 = vector.broadcast %add3A_521 : f32 to vector<1x64xf32>
    %add3A_523 = arith.addf %round3A_182, %add3A_522 : vector<1x64xf32>
    %eq3A_524 = vector.broadcast %add3A_523 : vector<1x64xf32> to vector<80x64xf32>
    %eq3A_525 = arith.cmpf oeq, %convert_element_type3A_270, %eq3A_524 : vector<80x64xf32>
    %gt3A_526 = arith.constant 9.000000e+00 : f32
    %gt3A_527 = vector.broadcast %gt3A_526 : f32 to vector<1x64xf32>
    %gt3A_528 = arith.cmpf ogt, %floor3A_179, %gt3A_527 : vector<1x64xf32>
    %and3A_529 = vector.broadcast %gt3A_528 : vector<1x64xi1> to vector<80x64xi1>
    %and3A_530 = arith.andi %eq3A_525, %and3A_529 : vector<80x64xi1>
    %convert_element_type3A_531 = arith.extui %and3A_530 : vector<80x64xi1> to vector<80x64xi32>
    %convert_element_type3A_532 = arith.sitofp %convert_element_type3A_531 : vector<80x64xi32> to vector<80x64xf32>
    %add3A_533 = arith.constant 1.152000e+03 : f32
    %add3A_534 = vector.broadcast %add3A_533 : f32 to vector<64x1xf32>
    %add3A_535 = arith.addf %transpose3A, %add3A_534 : vector<64x1xf32>
    %sub3A_536 = arith.constant 1.152000e+03 : f32
    %sub3A_537 = vector.broadcast %sub3A_536 : f32 to vector<64x1xf32>
    %sub3A_538 = arith.subf %transpose3A_183, %sub3A_537 : vector<64x1xf32>
    %jit3A_539 = arith.constant 0.000000e+00 : f32
    %jit3A_540 = arith.constant 1.280000e+02 : f32
    %max3A_541 = vector.broadcast %jit3A_539 : f32 to vector<64x1xf32>
    %max3A_542 = arith.maximumf %max3A_541, %sub3A_538 : vector<64x1xf32>
    %min3A_543 = vector.broadcast %jit3A_540 : f32 to vector<64x1xf32>
    %min3A_544 = arith.minimumf %min3A_543, %max3A_542 : vector<64x1xf32>
    %concatenate3A_545 = tpu.concatenate %convert_element_type3A_268, %add3A_535, %min3A_544 in 1 : vector<64x1xf32>, vector<64x1xf32>, vector<64x1xf32> -> vector<64x3xf32>
    %dot_general3A_546 = arith.constant dense<0.000000e+00> : vector<80x3xf32>
    %dot_general3A_547 = tpu.matmul %convert_element_type3A_532, %concatenate3A_545, %dot_general3A_546 {dimension_numbers = #tpu.dot_dimension_numbers<[1], [0], [0], [1], [0, 0, 1, 1], [], []>, precision = #tpu.contract_precision<fp32>, transpose_lhs_hint = false} : vector<80x64xf32>, vector<64x3xf32>, vector<80x3xf32> -> vector<80x3xf32>
    %add3A_548 = arith.addf %add3A_520, %dot_general3A_547 : vector<80x3xf32>
    %add3A_549 = arith.constant 1.000000e+01 : f32
    %add3A_550 = vector.broadcast %add3A_549 : f32 to vector<1x64xf32>
    %add3A_551 = arith.addf %round3A_182, %add3A_550 : vector<1x64xf32>
    %eq3A_552 = vector.broadcast %add3A_551 : vector<1x64xf32> to vector<80x64xf32>
    %eq3A_553 = arith.cmpf oeq, %convert_element_type3A_270, %eq3A_552 : vector<80x64xf32>
    %gt3A_554 = arith.constant 1.000000e+01 : f32
    %gt3A_555 = vector.broadcast %gt3A_554 : f32 to vector<1x64xf32>
    %gt3A_556 = arith.cmpf ogt, %floor3A_179, %gt3A_555 : vector<1x64xf32>
    %and3A_557 = vector.broadcast %gt3A_556 : vector<1x64xi1> to vector<80x64xi1>
    %and3A_558 = arith.andi %eq3A_553, %and3A_557 : vector<80x64xi1>
    %convert_element_type3A_559 = arith.extui %and3A_558 : vector<80x64xi1> to vector<80x64xi32>
    %convert_element_type3A_560 = arith.sitofp %convert_element_type3A_559 : vector<80x64xi32> to vector<80x64xf32>
    %add3A_561 = arith.constant 1.280000e+03 : f32
    %add3A_562 = vector.broadcast %add3A_561 : f32 to vector<64x1xf32>
    %add3A_563 = arith.addf %transpose3A, %add3A_562 : vector<64x1xf32>
    %sub3A_564 = arith.constant 1.280000e+03 : f32
    %sub3A_565 = vector.broadcast %sub3A_564 : f32 to vector<64x1xf32>
    %sub3A_566 = arith.subf %transpose3A_183, %sub3A_565 : vector<64x1xf32>
    %jit3A_567 = arith.constant 0.000000e+00 : f32
    %jit3A_568 = arith.constant 1.280000e+02 : f32
    %max3A_569 = vector.broadcast %jit3A_567 : f32 to vector<64x1xf32>
    %max3A_570 = arith.maximumf %max3A_569, %sub3A_566 : vector<64x1xf32>
    %min3A_571 = vector.broadcast %jit3A_568 : f32 to vector<64x1xf32>
    %min3A_572 = arith.minimumf %min3A_571, %max3A_570 : vector<64x1xf32>
    %concatenate3A_573 = tpu.concatenate %convert_element_type3A_268, %add3A_563, %min3A_572 in 1 : vector<64x1xf32>, vector<64x1xf32>, vector<64x1xf32> -> vector<64x3xf32>
    %dot_general3A_574 = arith.constant dense<0.000000e+00> : vector<80x3xf32>
    %dot_general3A_575 = tpu.matmul %convert_element_type3A_560, %concatenate3A_573, %dot_general3A_574 {dimension_numbers = #tpu.dot_dimension_numbers<[1], [0], [0], [1], [0, 0, 1, 1], [], []>, precision = #tpu.contract_precision<fp32>, transpose_lhs_hint = false} : vector<80x64xf32>, vector<64x3xf32>, vector<80x3xf32> -> vector<80x3xf32>
    %add3A_576 = arith.addf %add3A_548, %dot_general3A_575 : vector<80x3xf32>
    %add3A_577 = arith.constant 1.100000e+01 : f32
    %add3A_578 = vector.broadcast %add3A_577 : f32 to vector<1x64xf32>
    %add3A_579 = arith.addf %round3A_182, %add3A_578 : vector<1x64xf32>
    %eq3A_580 = vector.broadcast %add3A_579 : vector<1x64xf32> to vector<80x64xf32>
    %eq3A_581 = arith.cmpf oeq, %convert_element_type3A_270, %eq3A_580 : vector<80x64xf32>
    %gt3A_582 = arith.constant 1.100000e+01 : f32
    %gt3A_583 = vector.broadcast %gt3A_582 : f32 to vector<1x64xf32>
    %gt3A_584 = arith.cmpf ogt, %floor3A_179, %gt3A_583 : vector<1x64xf32>
    %and3A_585 = vector.broadcast %gt3A_584 : vector<1x64xi1> to vector<80x64xi1>
    %and3A_586 = arith.andi %eq3A_581, %and3A_585 : vector<80x64xi1>
    %convert_element_type3A_587 = arith.extui %and3A_586 : vector<80x64xi1> to vector<80x64xi32>
    %convert_element_type3A_588 = arith.sitofp %convert_element_type3A_587 : vector<80x64xi32> to vector<80x64xf32>
    %add3A_589 = arith.constant 1.408000e+03 : f32
    %add3A_590 = vector.broadcast %add3A_589 : f32 to vector<64x1xf32>
    %add3A_591 = arith.addf %transpose3A, %add3A_590 : vector<64x1xf32>
    %sub3A_592 = arith.constant 1.408000e+03 : f32
    %sub3A_593 = vector.broadcast %sub3A_592 : f32 to vector<64x1xf32>
    %sub3A_594 = arith.subf %transpose3A_183, %sub3A_593 : vector<64x1xf32>
    %jit3A_595 = arith.constant 0.000000e+00 : f32
    %jit3A_596 = arith.constant 1.280000e+02 : f32
    %max3A_597 = vector.broadcast %jit3A_595 : f32 to vector<64x1xf32>
    %max3A_598 = arith.maximumf %max3A_597, %sub3A_594 : vector<64x1xf32>
    %min3A_599 = vector.broadcast %jit3A_596 : f32 to vector<64x1xf32>
    %min3A_600 = arith.minimumf %min3A_599, %max3A_598 : vector<64x1xf32>
    %concatenate3A_601 = tpu.concatenate %convert_element_type3A_268, %add3A_591, %min3A_600 in 1 : vector<64x1xf32>, vector<64x1xf32>, vector<64x1xf32> -> vector<64x3xf32>
    %dot_general3A_602 = arith.constant dense<0.000000e+00> : vector<80x3xf32>
    %dot_general3A_603 = tpu.matmul %convert_element_type3A_588, %concatenate3A_601, %dot_general3A_602 {dimension_numbers = #tpu.dot_dimension_numbers<[1], [0], [0], [1], [0, 0, 1, 1], [], []>, precision = #tpu.contract_precision<fp32>, transpose_lhs_hint = false} : vector<80x64xf32>, vector<64x3xf32>, vector<80x3xf32> -> vector<80x3xf32>
    %add3A_604 = arith.addf %add3A_576, %dot_general3A_603 : vector<80x3xf32>
    %add3A_605 = arith.constant 1.200000e+01 : f32
    %add3A_606 = vector.broadcast %add3A_605 : f32 to vector<1x64xf32>
    %add3A_607 = arith.addf %round3A_182, %add3A_606 : vector<1x64xf32>
    %eq3A_608 = vector.broadcast %add3A_607 : vector<1x64xf32> to vector<80x64xf32>
    %eq3A_609 = arith.cmpf oeq, %convert_element_type3A_270, %eq3A_608 : vector<80x64xf32>
    %gt3A_610 = arith.constant 1.200000e+01 : f32
    %gt3A_611 = vector.broadcast %gt3A_610 : f32 to vector<1x64xf32>
    %gt3A_612 = arith.cmpf ogt, %floor3A_179, %gt3A_611 : vector<1x64xf32>
    %and3A_613 = vector.broadcast %gt3A_612 : vector<1x64xi1> to vector<80x64xi1>
    %and3A_614 = arith.andi %eq3A_609, %and3A_613 : vector<80x64xi1>
    %convert_element_type3A_615 = arith.extui %and3A_614 : vector<80x64xi1> to vector<80x64xi32>
    %convert_element_type3A_616 = arith.sitofp %convert_element_type3A_615 : vector<80x64xi32> to vector<80x64xf32>
    %add3A_617 = arith.constant 1.536000e+03 : f32
    %add3A_618 = vector.broadcast %add3A_617 : f32 to vector<64x1xf32>
    %add3A_619 = arith.addf %transpose3A, %add3A_618 : vector<64x1xf32>
    %sub3A_620 = arith.constant 1.536000e+03 : f32
    %sub3A_621 = vector.broadcast %sub3A_620 : f32 to vector<64x1xf32>
    %sub3A_622 = arith.subf %transpose3A_183, %sub3A_621 : vector<64x1xf32>
    %jit3A_623 = arith.constant 0.000000e+00 : f32
    %jit3A_624 = arith.constant 1.280000e+02 : f32
    %max3A_625 = vector.broadcast %jit3A_623 : f32 to vector<64x1xf32>
    %max3A_626 = arith.maximumf %max3A_625, %sub3A_622 : vector<64x1xf32>
    %min3A_627 = vector.broadcast %jit3A_624 : f32 to vector<64x1xf32>
    %min3A_628 = arith.minimumf %min3A_627, %max3A_626 : vector<64x1xf32>
    %concatenate3A_629 = tpu.concatenate %convert_element_type3A_268, %add3A_619, %min3A_628 in 1 : vector<64x1xf32>, vector<64x1xf32>, vector<64x1xf32> -> vector<64x3xf32>
    %dot_general3A_630 = arith.constant dense<0.000000e+00> : vector<80x3xf32>
    %dot_general3A_631 = tpu.matmul %convert_element_type3A_616, %concatenate3A_629, %dot_general3A_630 {dimension_numbers = #tpu.dot_dimension_numbers<[1], [0], [0], [1], [0, 0, 1, 1], [], []>, precision = #tpu.contract_precision<fp32>, transpose_lhs_hint = false} : vector<80x64xf32>, vector<64x3xf32>, vector<80x3xf32> -> vector<80x3xf32>
    %add3A_632 = arith.addf %add3A_604, %dot_general3A_631 : vector<80x3xf32>
    %add3A_633 = arith.constant 1.300000e+01 : f32
    %add3A_634 = vector.broadcast %add3A_633 : f32 to vector<1x64xf32>
    %add3A_635 = arith.addf %round3A_182, %add3A_634 : vector<1x64xf32>
    %eq3A_636 = vector.broadcast %add3A_635 : vector<1x64xf32> to vector<80x64xf32>
    %eq3A_637 = arith.cmpf oeq, %convert_element_type3A_270, %eq3A_636 : vector<80x64xf32>
    %gt3A_638 = arith.constant 1.300000e+01 : f32
    %gt3A_639 = vector.broadcast %gt3A_638 : f32 to vector<1x64xf32>
    %gt3A_640 = arith.cmpf ogt, %floor3A_179, %gt3A_639 : vector<1x64xf32>
    %and3A_641 = vector.broadcast %gt3A_640 : vector<1x64xi1> to vector<80x64xi1>
    %and3A_642 = arith.andi %eq3A_637, %and3A_641 : vector<80x64xi1>
    %convert_element_type3A_643 = arith.extui %and3A_642 : vector<80x64xi1> to vector<80x64xi32>
    %convert_element_type3A_644 = arith.sitofp %convert_element_type3A_643 : vector<80x64xi32> to vector<80x64xf32>
    %add3A_645 = arith.constant 1.664000e+03 : f32
    %add3A_646 = vector.broadcast %add3A_645 : f32 to vector<64x1xf32>
    %add3A_647 = arith.addf %transpose3A, %add3A_646 : vector<64x1xf32>
    %sub3A_648 = arith.constant 1.664000e+03 : f32
    %sub3A_649 = vector.broadcast %sub3A_648 : f32 to vector<64x1xf32>
    %sub3A_650 = arith.subf %transpose3A_183, %sub3A_649 : vector<64x1xf32>
    %jit3A_651 = arith.constant 0.000000e+00 : f32
    %jit3A_652 = arith.constant 1.280000e+02 : f32
    %max3A_653 = vector.broadcast %jit3A_651 : f32 to vector<64x1xf32>
    %max3A_654 = arith.maximumf %max3A_653, %sub3A_650 : vector<64x1xf32>
    %min3A_655 = vector.broadcast %jit3A_652 : f32 to vector<64x1xf32>
    %min3A_656 = arith.minimumf %min3A_655, %max3A_654 : vector<64x1xf32>
    %concatenate3A_657 = tpu.concatenate %convert_element_type3A_268, %add3A_647, %min3A_656 in 1 : vector<64x1xf32>, vector<64x1xf32>, vector<64x1xf32> -> vector<64x3xf32>
    %dot_general3A_658 = arith.constant dense<0.000000e+00> : vector<80x3xf32>
    %dot_general3A_659 = tpu.matmul %convert_element_type3A_644, %concatenate3A_657, %dot_general3A_658 {dimension_numbers = #tpu.dot_dimension_numbers<[1], [0], [0], [1], [0, 0, 1, 1], [], []>, precision = #tpu.contract_precision<fp32>, transpose_lhs_hint = false} : vector<80x64xf32>, vector<64x3xf32>, vector<80x3xf32> -> vector<80x3xf32>
    %add3A_660 = arith.addf %add3A_632, %dot_general3A_659 : vector<80x3xf32>
    %add3A_661 = arith.constant 1.400000e+01 : f32
    %add3A_662 = vector.broadcast %add3A_661 : f32 to vector<1x64xf32>
    %add3A_663 = arith.addf %round3A_182, %add3A_662 : vector<1x64xf32>
    %eq3A_664 = vector.broadcast %add3A_663 : vector<1x64xf32> to vector<80x64xf32>
    %eq3A_665 = arith.cmpf oeq, %convert_element_type3A_270, %eq3A_664 : vector<80x64xf32>
    %gt3A_666 = arith.constant 1.400000e+01 : f32
    %gt3A_667 = vector.broadcast %gt3A_666 : f32 to vector<1x64xf32>
    %gt3A_668 = arith.cmpf ogt, %floor3A_179, %gt3A_667 : vector<1x64xf32>
    %and3A_669 = vector.broadcast %gt3A_668 : vector<1x64xi1> to vector<80x64xi1>
    %and3A_670 = arith.andi %eq3A_665, %and3A_669 : vector<80x64xi1>
    %convert_element_type3A_671 = arith.extui %and3A_670 : vector<80x64xi1> to vector<80x64xi32>
    %convert_element_type3A_672 = arith.sitofp %convert_element_type3A_671 : vector<80x64xi32> to vector<80x64xf32>
    %add3A_673 = arith.constant 1.792000e+03 : f32
    %add3A_674 = vector.broadcast %add3A_673 : f32 to vector<64x1xf32>
    %add3A_675 = arith.addf %transpose3A, %add3A_674 : vector<64x1xf32>
    %sub3A_676 = arith.constant 1.792000e+03 : f32
    %sub3A_677 = vector.broadcast %sub3A_676 : f32 to vector<64x1xf32>
    %sub3A_678 = arith.subf %transpose3A_183, %sub3A_677 : vector<64x1xf32>
    %jit3A_679 = arith.constant 0.000000e+00 : f32
    %jit3A_680 = arith.constant 1.280000e+02 : f32
    %max3A_681 = vector.broadcast %jit3A_679 : f32 to vector<64x1xf32>
    %max3A_682 = arith.maximumf %max3A_681, %sub3A_678 : vector<64x1xf32>
    %min3A_683 = vector.broadcast %jit3A_680 : f32 to vector<64x1xf32>
    %min3A_684 = arith.minimumf %min3A_683, %max3A_682 : vector<64x1xf32>
    %concatenate3A_685 = tpu.concatenate %convert_element_type3A_268, %add3A_675, %min3A_684 in 1 : vector<64x1xf32>, vector<64x1xf32>, vector<64x1xf32> -> vector<64x3xf32>
    %dot_general3A_686 = arith.constant dense<0.000000e+00> : vector<80x3xf32>
    %dot_general3A_687 = tpu.matmul %convert_element_type3A_672, %concatenate3A_685, %dot_general3A_686 {dimension_numbers = #tpu.dot_dimension_numbers<[1], [0], [0], [1], [0, 0, 1, 1], [], []>, precision = #tpu.contract_precision<fp32>, transpose_lhs_hint = false} : vector<80x64xf32>, vector<64x3xf32>, vector<80x3xf32> -> vector<80x3xf32>
    %add3A_688 = arith.addf %add3A_660, %dot_general3A_687 : vector<80x3xf32>
    %add3A_689 = arith.constant 1.500000e+01 : f32
    %add3A_690 = vector.broadcast %add3A_689 : f32 to vector<1x64xf32>
    %add3A_691 = arith.addf %round3A_182, %add3A_690 : vector<1x64xf32>
    %eq3A_692 = vector.broadcast %add3A_691 : vector<1x64xf32> to vector<80x64xf32>
    %eq3A_693 = arith.cmpf oeq, %convert_element_type3A_270, %eq3A_692 : vector<80x64xf32>
    %gt3A_694 = arith.constant 1.500000e+01 : f32
    %gt3A_695 = vector.broadcast %gt3A_694 : f32 to vector<1x64xf32>
    %gt3A_696 = arith.cmpf ogt, %floor3A_179, %gt3A_695 : vector<1x64xf32>
    %and3A_697 = vector.broadcast %gt3A_696 : vector<1x64xi1> to vector<80x64xi1>
    %and3A_698 = arith.andi %eq3A_693, %and3A_697 : vector<80x64xi1>
    %convert_element_type3A_699 = arith.extui %and3A_698 : vector<80x64xi1> to vector<80x64xi32>
    %convert_element_type3A_700 = arith.sitofp %convert_element_type3A_699 : vector<80x64xi32> to vector<80x64xf32>
    %add3A_701 = arith.constant 1.920000e+03 : f32
    %add3A_702 = vector.broadcast %add3A_701 : f32 to vector<64x1xf32>
    %add3A_703 = arith.addf %transpose3A, %add3A_702 : vector<64x1xf32>
    %sub3A_704 = arith.constant 1.920000e+03 : f32
    %sub3A_705 = vector.broadcast %sub3A_704 : f32 to vector<64x1xf32>
    %sub3A_706 = arith.subf %transpose3A_183, %sub3A_705 : vector<64x1xf32>
    %jit3A_707 = arith.constant 0.000000e+00 : f32
    %jit3A_708 = arith.constant 1.280000e+02 : f32
    %max3A_709 = vector.broadcast %jit3A_707 : f32 to vector<64x1xf32>
    %max3A_710 = arith.maximumf %max3A_709, %sub3A_706 : vector<64x1xf32>
    %min3A_711 = vector.broadcast %jit3A_708 : f32 to vector<64x1xf32>
    %min3A_712 = arith.minimumf %min3A_711, %max3A_710 : vector<64x1xf32>
    %concatenate3A_713 = tpu.concatenate %convert_element_type3A_268, %add3A_703, %min3A_712 in 1 : vector<64x1xf32>, vector<64x1xf32>, vector<64x1xf32> -> vector<64x3xf32>
    %dot_general3A_714 = arith.constant dense<0.000000e+00> : vector<80x3xf32>
    %dot_general3A_715 = tpu.matmul %convert_element_type3A_700, %concatenate3A_713, %dot_general3A_714 {dimension_numbers = #tpu.dot_dimension_numbers<[1], [0], [0], [1], [0, 0, 1, 1], [], []>, precision = #tpu.contract_precision<fp32>, transpose_lhs_hint = false} : vector<80x64xf32>, vector<64x3xf32>, vector<80x3xf32> -> vector<80x3xf32>
    %add3A_716 = arith.addf %add3A_688, %dot_general3A_715 : vector<80x3xf32>
    %reduce_sum3A_717 = arith.constant dense<0.000000e+00> : vector<1xf32>
    %reduce_sum3A_718 = vector.multi_reduction <add>, %floor3A_179, %reduce_sum3A_717 [1] : vector<1x64xf32> to vector<1xf32>
    %broadcast_in_dim3A_719 = vector.shape_cast %reduce_sum3A_718 : vector<1xf32> to vector<1x1xf32>
    %round3A_720 = math.roundeven %broadcast_in_dim3A_719 : vector<1x1xf32>
    %gt3A_721 = arith.constant 0.000000e+00 : f32
    %gt3A_722 = vector.broadcast %gt3A_721 : f32 to vector<64x1xf32>
    %gt3A_723 = arith.cmpf ogt, %transpose3A_183, %gt3A_722 : vector<64x1xf32>
    %jit3A_724 = arith.constant -1.000000e+00 : f32
    %broadcast_in_dim3A_725 = vector.broadcast %jit3A_724 : f32 to vector<64x1xf32>
    %select_n3A_726 = arith.select %gt3A_723, %convert_element_type3A_268, %broadcast_in_dim3A_725 : vector<64x1xi1>, vector<64x1xf32>
    %reduce_max3A_727 = arith.constant dense<0xFF800000> : vector<1xf32>
    %reduce_max3A_728 = vector.multi_reduction <maximumf>, %select_n3A_726, %reduce_max3A_727 [0] : vector<64x1xf32> to vector<1xf32>
    %broadcast_in_dim3A_729 = vector.shape_cast %reduce_max3A_728 : vector<1xf32> to vector<1x1xf32>
    %iota3A_730 = tpu.iota {dimensions = array<i32: 0>} : vector<80x1xi32>
    %convert_element_type3A_731 = arith.sitofp %iota3A_730 : vector<80x1xi32> to vector<80x1xf32>
    %ge3A_732 = vector.broadcast %round3A_720 : vector<1x1xf32> to vector<80x1xf32>
    %ge3A_733 = arith.cmpf oge, %convert_element_type3A_731, %ge3A_732 : vector<80x1xf32>
    %convert_element_type3A_734 = arith.extui %ge3A_733 : vector<80x1xi1> to vector<80x1xi32>
    %convert_element_type3A_735 = arith.sitofp %convert_element_type3A_734 : vector<80x1xi32> to vector<80x1xf32>
    %mul3A_736 = vector.broadcast %broadcast_in_dim3A_729 : vector<1x1xf32> to vector<80x1xf32>
    %mul3A_737 = arith.mulf %convert_element_type3A_735, %mul3A_736 : vector<80x1xf32>
    %broadcast_in_dim3A_738 = arith.constant 0.000000e+00 : f32
    %broadcast_in_dim3A_739 = vector.broadcast %broadcast_in_dim3A_738 : f32 to vector<80x2xf32>
    %concatenate3A_740 = tpu.concatenate %mul3A_737, %broadcast_in_dim3A_739 in 1 : vector<80x1xf32>, vector<80x2xf32> -> vector<80x3xf32>
    %add3A_741 = arith.addf %add3A_716, %concatenate3A_740 : vector<80x3xf32>
    %round3A_742 = math.roundeven %add3A_741 : vector<80x3xf32>
    %convert_element_type3A_743 = arith.fptosi %round3A_742 : vector<80x3xf32> to vector<80x3xi32>
    %swap3A_744 = arith.constant 0 : index
    %swap3A_745 = arith.constant 0 : index
    %swap3A_746 = vector.load %arg4[%swap3A_744, %swap3A_745] : memref<80x3xi32, #tpu.memory_space<vmem>>, vector<80x3xi32>
    tpu.vector_store %arg4[%swap3A_744, %swap3A_745], %convert_element_type3A_743 {strides = array<i32>} : memref<80x3xi32, #tpu.memory_space<vmem>>, vector<80x3xi32>,
    return
  }
}

module attributes {stable_mosaic.version = 14 : i64} {
  func.func @_moe_body(%arg0: i32, %arg1: memref<80x3xi32, #tpu.memory_space<smem>>, %arg2: memref<2560x768xf32, #tpu.memory_space<vmem>>, %arg3: memref<2560x1xf32, #tpu.memory_space<vmem>>, %arg4: memref<1x768x1024xf32, #tpu.memory_space<vmem>>, %arg5: memref<1x768x1024xf32, #tpu.memory_space<vmem>>, %arg6: memref<1x1024x768xf32, #tpu.memory_space<vmem>>, %arg7: memref<768x1024xf32, #tpu.memory_space<vmem>>, %arg8: memref<768x1024xf32, #tpu.memory_space<vmem>>, %arg9: memref<1024x768xf32, #tpu.memory_space<vmem>>, %arg10: memref<2560x768xf32, #tpu.memory_space<vmem>>) attributes {dimension_semantics = [#tpu.dimension_semantics<arbitrary>], iteration_bounds = array<i64: 80>, scalar_prefetch = 1 : i64, scratch_operands = 0 : i64, tpu.core_type = #tpu.core_type<tc>, window_params = [{pipeline_mode = #tpu.pipeline_mode<synchronous>, transform_indices = @transform_0, window_bounds = array<i64: 2560, 768>}, {pipeline_mode = #tpu.pipeline_mode<synchronous>, transform_indices = @transform_1, window_bounds = array<i64: 2560, 1>}, {transform_indices = @transform_2, window_bounds = array<i64: 1, 768, 1024>}, {transform_indices = @transform_3, window_bounds = array<i64: 1, 768, 1024>}, {transform_indices = @transform_4, window_bounds = array<i64: 1, 1024, 768>}, {pipeline_mode = #tpu.pipeline_mode<synchronous>, transform_indices = @transform_5, window_bounds = array<i64: 768, 1024>}, {pipeline_mode = #tpu.pipeline_mode<synchronous>, transform_indices = @transform_6, window_bounds = array<i64: 768, 1024>}, {pipeline_mode = #tpu.pipeline_mode<synchronous>, transform_indices = @transform_7, window_bounds = array<i64: 1024, 768>}, {pipeline_mode = #tpu.pipeline_mode<synchronous>, transform_indices = @transform_8, window_bounds = array<i64: 2560, 768>}]} {
    %eq3A = arith.constant 0 : i32
    %eq3A_0 = arith.cmpi eq, %arg0, %eq3A : i32
    %convert_element_type3A = arith.extui %eq3A_0 : i1 to i32
    %cond3A = arith.constant 0 : i32
    %cond3A_1 = arith.cmpi ne, %convert_element_type3A, %cond3A : i32
    scf.if %cond3A_1 {
      %broadcast_in_dim3A = arith.constant 0.000000e+00 : f32
      %broadcast_in_dim3A_11 = vector.broadcast %broadcast_in_dim3A : f32 to vector<2560x768xf32>
      %swap3A = arith.constant 0 : index
      %swap3A_12 = arith.constant 0 : index
      %swap3A_13 = vector.load %arg10[%swap3A, %swap3A_12] : memref<2560x768xf32, #tpu.memory_space<vmem>>, vector<2560x768xf32>
      tpu.vector_store %arg10[%swap3A, %swap3A_12], %broadcast_in_dim3A_11 {strides = array<i32>} : memref<2560x768xf32, #tpu.memory_space<vmem>>, vector<2560x768xf32>,
    } else {
    }
    %get3A = arith.index_cast %arg0 : i32 to index
    %get3A_2 = arith.constant 1 : index
    %get3A_3 = memref.load %arg1[%get3A, %get3A_2] : memref<80x3xi32, #tpu.memory_space<smem>>
    %multiple_of3A = tpu.assume_multiple %get3A_3, 8 : i32
    %get3A_4 = arith.index_cast %arg0 : i32 to index
    %get3A_5 = arith.constant 2 : index
    %get3A_6 = memref.load %arg1[%get3A_4, %get3A_5] : memref<80x3xi32, #tpu.memory_space<smem>>
    %gt3A = arith.constant 0 : i32
    %gt3A_7 = arith.cmpi sgt, %get3A_6, %gt3A : i32
    %convert_element_type3A_8 = arith.extui %gt3A_7 : i1 to i32
    %cond3A_9 = arith.constant 0 : i32
    %cond3A_10 = arith.cmpi ne, %convert_element_type3A_8, %cond3A_9 : i32
    scf.if %cond3A_10 {
      %get3A_11 = arith.index_cast %multiple_of3A : i32 to index
      %get3A_12 = arith.constant 0 : index
      %get3A_13 = vector.load %arg2[%get3A_11, %get3A_12] : memref<2560x768xf32, #tpu.memory_space<vmem>>, vector<128x768xf32>
      %get3A_14 = arith.constant 0 : index
      %get3A_15 = arith.constant 0 : index
      %get3A_16 = arith.constant 0 : index
      %get3A_17 = vector.load %arg4[%get3A_14, %get3A_15, %get3A_16] : memref<1x768x1024xf32, #tpu.memory_space<vmem>>, vector<1x768x1024xf32>
      %get3A_18 = vector.shape_cast %get3A_17 : vector<1x768x1024xf32> to vector<768x1024xf32>
      %dot_general3A = arith.constant dense<0.000000e+00> : vector<128x1024xf32>
      %dot_general3A_19 = tpu.matmul %get3A_13, %get3A_18, %dot_general3A {dimension_numbers = #tpu.dot_dimension_numbers<[1], [0], [0], [1], [0, 0, 1, 1], [], []>, transpose_lhs_hint = false} : vector<128x768xf32>, vector<768x1024xf32>, vector<128x1024xf32> -> vector<128x1024xf32>
      %get3A_20 = arith.constant 0 : index
      %get3A_21 = arith.constant 0 : index
      %get3A_22 = arith.constant 0 : index
      %get3A_23 = vector.load %arg5[%get3A_20, %get3A_21, %get3A_22] : memref<1x768x1024xf32, #tpu.memory_space<vmem>>, vector<1x768x1024xf32>
      %get3A_24 = vector.shape_cast %get3A_23 : vector<1x768x1024xf32> to vector<768x1024xf32>
      %dot_general3A_25 = arith.constant dense<0.000000e+00> : vector<128x1024xf32>
      %dot_general3A_26 = tpu.matmul %get3A_13, %get3A_24, %dot_general3A_25 {dimension_numbers = #tpu.dot_dimension_numbers<[1], [0], [0], [1], [0, 0, 1, 1], [], []>, transpose_lhs_hint = false} : vector<128x768xf32>, vector<768x1024xf32>, vector<128x1024xf32> -> vector<128x1024xf32>
      %logistic3A = arith.negf %dot_general3A_19 : vector<128x1024xf32>
      %logistic3A_27 = math.exp %logistic3A : vector<128x1024xf32>
      %logistic3A_28 = arith.constant 1.000000e+00 : f32
      %logistic3A_29 = vector.broadcast %logistic3A_28 : f32 to vector<128x1024xf32>
      %logistic3A_30 = arith.addf %logistic3A_29, %logistic3A_27 : vector<128x1024xf32>
      %logistic3A_31 = arith.divf %logistic3A_29, %logistic3A_30 : vector<128x1024xf32>
      %mul3A = arith.mulf %dot_general3A_19, %logistic3A_31 : vector<128x1024xf32>
      %mul3A_32 = arith.mulf %mul3A, %dot_general3A_26 : vector<128x1024xf32>
      %get3A_33 = arith.constant 0 : index
      %get3A_34 = arith.constant 0 : index
      %get3A_35 = vector.load %arg7[%get3A_33, %get3A_34] : memref<768x1024xf32, #tpu.memory_space<vmem>>, vector<768x1024xf32>
      %dot_general3A_36 = arith.constant dense<0.000000e+00> : vector<128x1024xf32>
      %dot_general3A_37 = tpu.matmul %get3A_13, %get3A_35, %dot_general3A_36 {dimension_numbers = #tpu.dot_dimension_numbers<[1], [0], [0], [1], [0, 0, 1, 1], [], []>, transpose_lhs_hint = false} : vector<128x768xf32>, vector<768x1024xf32>, vector<128x1024xf32> -> vector<128x1024xf32>
      %get3A_38 = arith.constant 0 : index
      %get3A_39 = arith.constant 0 : index
      %get3A_40 = vector.load %arg8[%get3A_38, %get3A_39] : memref<768x1024xf32, #tpu.memory_space<vmem>>, vector<768x1024xf32>
      %dot_general3A_41 = arith.constant dense<0.000000e+00> : vector<128x1024xf32>
      %dot_general3A_42 = tpu.matmul %get3A_13, %get3A_40, %dot_general3A_41 {dimension_numbers = #tpu.dot_dimension_numbers<[1], [0], [0], [1], [0, 0, 1, 1], [], []>, transpose_lhs_hint = false} : vector<128x768xf32>, vector<768x1024xf32>, vector<128x1024xf32> -> vector<128x1024xf32>
      %logistic3A_43 = arith.negf %dot_general3A_37 : vector<128x1024xf32>
      %logistic3A_44 = math.exp %logistic3A_43 : vector<128x1024xf32>
      %logistic3A_45 = arith.constant 1.000000e+00 : f32
      %logistic3A_46 = vector.broadcast %logistic3A_45 : f32 to vector<128x1024xf32>
      %logistic3A_47 = arith.addf %logistic3A_46, %logistic3A_44 : vector<128x1024xf32>
      %logistic3A_48 = arith.divf %logistic3A_46, %logistic3A_47 : vector<128x1024xf32>
      %mul3A_49 = arith.mulf %dot_general3A_37, %logistic3A_48 : vector<128x1024xf32>
      %mul3A_50 = arith.mulf %mul3A_49, %dot_general3A_42 : vector<128x1024xf32>
      %get3A_51 = arith.index_cast %multiple_of3A : i32 to index
      %get3A_52 = arith.constant 0 : index
      %get3A_53 = vector.load %arg3[%get3A_51, %get3A_52] : memref<2560x1xf32, #tpu.memory_space<vmem>>, vector<128x1xf32>
      %iota3A = tpu.iota {dimensions = array<i32: 0>} : vector<128x1xi32>
      %lt3A = vector.broadcast %get3A_6 : i32 to vector<128x1xi32>
      %lt3A_54 = arith.cmpi slt, %iota3A, %lt3A : vector<128x1xi32>
      %mul3A_55 = vector.broadcast %get3A_53 : vector<128x1xf32> to vector<128x1024xf32>
      %mul3A_56 = arith.mulf %mul3A_32, %mul3A_55 : vector<128x1024xf32>
      %jit3A = arith.constant 0.000000e+00 : f32
      %broadcast_in_dim3A = vector.shape_cast %lt3A_54 : vector<128x1xi1> to vector<128x1xi1>
      %broadcast_in_dim3A_57 = vector.broadcast %broadcast_in_dim3A : vector<128x1xi1> to vector<128x1024xi1>
      %broadcast_in_dim3A_58 = vector.broadcast %jit3A : f32 to vector<128x1024xf32>
      %select_n3A = arith.select %broadcast_in_dim3A_57, %mul3A_56, %broadcast_in_dim3A_58 : vector<128x1024xi1>, vector<128x1024xf32>
      %jit3A_59 = arith.constant 0.000000e+00 : f32
      %broadcast_in_dim3A_60 = vector.shape_cast %lt3A_54 : vector<128x1xi1> to vector<128x1xi1>
      %broadcast_in_dim3A_61 = vector.broadcast %broadcast_in_dim3A_60 : vector<128x1xi1> to vector<128x1024xi1>
      %broadcast_in_dim3A_62 = vector.broadcast %jit3A_59 : f32 to vector<128x1024xf32>
      %select_n3A_63 = arith.select %broadcast_in_dim3A_61, %mul3A_50, %broadcast_in_dim3A_62 : vector<128x1024xi1>, vector<128x1024xf32>
      %get3A_64 = arith.constant 0 : index
      %get3A_65 = arith.constant 0 : index
      %get3A_66 = arith.constant 0 : index
      %get3A_67 = vector.load %arg6[%get3A_64, %get3A_65, %get3A_66] : memref<1x1024x768xf32, #tpu.memory_space<vmem>>, vector<1x1024x768xf32>
      %get3A_68 = vector.shape_cast %get3A_67 : vector<1x1024x768xf32> to vector<1024x768xf32>
      %dot_general3A_69 = arith.constant dense<0.000000e+00> : vector<128x768xf32>
      %dot_general3A_70 = tpu.matmul %select_n3A, %get3A_68, %dot_general3A_69 {dimension_numbers = #tpu.dot_dimension_numbers<[1], [0], [0], [1], [0, 0, 1, 1], [], []>, transpose_lhs_hint = false} : vector<128x1024xf32>, vector<1024x768xf32>, vector<128x768xf32> -> vector<128x768xf32>
      %get3A_71 = arith.constant 0 : index
      %get3A_72 = arith.constant 0 : index
      %get3A_73 = vector.load %arg9[%get3A_71, %get3A_72] : memref<1024x768xf32, #tpu.memory_space<vmem>>, vector<1024x768xf32>
      %dot_general3A_74 = arith.constant dense<0.000000e+00> : vector<128x768xf32>
      %dot_general3A_75 = tpu.matmul %select_n3A_63, %get3A_73, %dot_general3A_74 {dimension_numbers = #tpu.dot_dimension_numbers<[1], [0], [0], [1], [0, 0, 1, 1], [], []>, transpose_lhs_hint = false} : vector<128x1024xf32>, vector<1024x768xf32>, vector<128x768xf32> -> vector<128x768xf32>
      %add3A = arith.addf %dot_general3A_70, %dot_general3A_75 : vector<128x768xf32>
      %get3A_76 = arith.index_cast %multiple_of3A : i32 to index
      %get3A_77 = arith.constant 0 : index
      %get3A_78 = vector.load %arg10[%get3A_76, %get3A_77] : memref<2560x768xf32, #tpu.memory_space<vmem>>, vector<128x768xf32>
      %add3A_79 = arith.addf %get3A_78, %add3A : vector<128x768xf32>
      %swap3A = arith.index_cast %multiple_of3A : i32 to index
      %swap3A_80 = arith.constant 0 : index
      %swap3A_81 = vector.load %arg10[%swap3A, %swap3A_80] : memref<2560x768xf32, #tpu.memory_space<vmem>>, vector<128x768xf32>
      tpu.vector_store %arg10[%swap3A, %swap3A_80], %add3A_79 {strides = array<i32>} : memref<2560x768xf32, #tpu.memory_space<vmem>>, vector<128x768xf32>,
    } else {
    }
    return
  }
  func.func @transform_0(%arg0: i32, %arg1: memref<80x3xi32, #tpu.memory_space<smem>>) -> (i32, i32) {
    %c0_i32 = arith.constant 0 : i32
    %c0_i32_0 = arith.constant 0 : i32
    %c0_i32_1 = arith.constant 0 : i32
    return %c0_i32, %c0_i32_0 : i32, i32
  }
  func.func @transform_1(%arg0: i32, %arg1: memref<80x3xi32, #tpu.memory_space<smem>>) -> (i32, i32) {
    %c0_i32 = arith.constant 0 : i32
    %c0_i32_0 = arith.constant 0 : i32
    %c0_i32_1 = arith.constant 0 : i32
    return %c0_i32, %c0_i32_0 : i32, i32
  }
  func.func @transform_2(%arg0: i32, %arg1: memref<80x3xi32, #tpu.memory_space<smem>>) -> (i32, i32, i32) {
    %get3A = arith.index_cast %arg0 : i32 to index
    %get3A_0 = arith.constant 0 : index
    %get3A_1 = memref.load %arg1[%get3A, %get3A_0] : memref<80x3xi32, #tpu.memory_space<smem>>
    %c0_i32 = arith.constant 0 : i32
    %c0_i32_2 = arith.constant 0 : i32
    %c0_i32_3 = arith.constant 0 : i32
    return %get3A_1, %c0_i32, %c0_i32_2 : i32, i32, i32
  }
  func.func @transform_3(%arg0: i32, %arg1: memref<80x3xi32, #tpu.memory_space<smem>>) -> (i32, i32, i32) {
    %get3A = arith.index_cast %arg0 : i32 to index
    %get3A_0 = arith.constant 0 : index
    %get3A_1 = memref.load %arg1[%get3A, %get3A_0] : memref<80x3xi32, #tpu.memory_space<smem>>
    %c0_i32 = arith.constant 0 : i32
    %c0_i32_2 = arith.constant 0 : i32
    %c0_i32_3 = arith.constant 0 : i32
    return %get3A_1, %c0_i32, %c0_i32_2 : i32, i32, i32
  }
  func.func @transform_4(%arg0: i32, %arg1: memref<80x3xi32, #tpu.memory_space<smem>>) -> (i32, i32, i32) {
    %get3A = arith.index_cast %arg0 : i32 to index
    %get3A_0 = arith.constant 0 : index
    %get3A_1 = memref.load %arg1[%get3A, %get3A_0] : memref<80x3xi32, #tpu.memory_space<smem>>
    %c0_i32 = arith.constant 0 : i32
    %c0_i32_2 = arith.constant 0 : i32
    %c0_i32_3 = arith.constant 0 : i32
    return %get3A_1, %c0_i32, %c0_i32_2 : i32, i32, i32
  }
  func.func @transform_5(%arg0: i32, %arg1: memref<80x3xi32, #tpu.memory_space<smem>>) -> (i32, i32) {
    %c0_i32 = arith.constant 0 : i32
    %c0_i32_0 = arith.constant 0 : i32
    %c0_i32_1 = arith.constant 0 : i32
    return %c0_i32, %c0_i32_0 : i32, i32
  }
  func.func @transform_6(%arg0: i32, %arg1: memref<80x3xi32, #tpu.memory_space<smem>>) -> (i32, i32) {
    %c0_i32 = arith.constant 0 : i32
    %c0_i32_0 = arith.constant 0 : i32
    %c0_i32_1 = arith.constant 0 : i32
    return %c0_i32, %c0_i32_0 : i32, i32
  }
  func.func @transform_7(%arg0: i32, %arg1: memref<80x3xi32, #tpu.memory_space<smem>>) -> (i32, i32) {
    %c0_i32 = arith.constant 0 : i32
    %c0_i32_0 = arith.constant 0 : i32
    %c0_i32_1 = arith.constant 0 : i32
    return %c0_i32, %c0_i32_0 : i32, i32
  }
  func.func @transform_8(%arg0: i32, %arg1: memref<80x3xi32, #tpu.memory_space<smem>>) -> (i32, i32) {
    %c0_i32 = arith.constant 0 : i32
    %c0_i32_0 = arith.constant 0 : i32
    %c0_i32_1 = arith.constant 0 : i32
    return %c0_i32, %c0_i32_0 : i32, i32
  }
}

</mosaic_0001>

<sc_bundles>
// kernel: kernel.6.cloned.1.call-start
scs
__scs_entry_jumppad:
0x0: {  	(pc) =	sbr.rel $0x88, $3  }
0x1: {  	(tag) =	ssettag $0x0;
	lr =	simm.s32 $0x1  }
0x2: {  	[smem:$0x3F99] =	sst lr;
	_ =	strace $0xD0000000  }
0x3: {  	_ = 	snop  }
0x4: {  	_ = 	snop  }
0x5: {  	_ = 	snop  }
0x6: {  	_ = 	snop  }
0x7: {  	_ = 	snop  }
__scs_overlays_trampoline_lowered:
0x8: {  	[smem:$0x3FA8] =	sst s0  }
0x9: {  	[smem:$0x3FA9] =	sst s1  }
0xa: {  	[smem:$0x3FAA] =	sst s2  }
0xb: {  	[smem:$0x3FAB] =	sst s3  }
0xc: {  	[smem:$0x3FAC] =	sst s4  }
0xd: {  	[smem:$0x3FAD] =	sst s5  }
0xe: {  	[smem:$0x3FAE] =	sst s6  }
0xf: {  	[smem:$0x3FAF] =	sst s7  }
0x10: {  	[smem:$0x3FB0] =	sst s8  }
0x11: {  	[smem:$0x3FB1] =	sst s9;
	s0 =	simm.s32 @!p0 $0x0  }
0x12: {  	s1 =	sld [smem:$0x3F97];
	s0 =	simm.s32 @p0 $0x1  }
0x13: {  	[smem:$0x3FB2] =	sst s0;
	s0 =	simm.s32 @!p1 $0x0  }
0x14: {  	s2 =	sld [smem:$0x3F96];
	s0 =	simm.s32 @p1 $0x1  }
0x15: {  	[smem:$0x3FB3] =	sst s0;
	s0 =	simm.s32 @!p2 $0x0  }
0x16: {  	s3 =	sld [smem:$0x3FDB];
	s0 =	simm.s32 @p2 $0x1  }
0x17: {  	s4 =	simm.s32 $0x1BF5;
	[smem:$0x3FB5] =	sst s0  }
0x18: {  	s0 =	sld [smem:$0x3F98];
	_ =	swait.ge [sflag:s4], $0x0  }
0x19: {  	s7 =	sld [smem:$0x3F99]  }
0x1a: {  	s8 =	sadd.s32 $0xFFFFE003, lr  }
0x1b: {  	s9 =	sadd.s32 $0xFFFFFEF7, lr;
	s5 =	simm.s32 $0xFFFFFFFF;
	p2 =	slt.u32 s8, $0xFFFFF086  }
0x1c: {  	p1 =	slt.u32 s9, $0xF7A;
	s5 =	simm.s32 @!p2 $0x0  }
0x1d: {  	s5 =	simm.s32 @p1 $0x1;
	p0 =	seq.s32 s7, s2  }
0x1e: {  	s7 =	smul.u32 @!p0 $0xF7A, s2;
	p2 =	seq.s32 @!p0 s5, $0x0  }
0x1f: {  	s9 =	smul.u32 $0xF7A, s1;
	s8 =	simm.s32 @!p0 $0x1BF5;
	p2 =	por !p2, p0  }
0x20: {  	[sflag:s8] =	ssyncset.s32 @!p0 $0xFFFFF086;
	s6 =	sadd.s32 @!p0 s3, s7;
	s7 =	simm.s32 @!p0 $0x108  }
0x21: {  	s3 =	sadd.s32 s3, s9;
	s6 =	sadd.s32 @!p0 $0x88, s6;
	s7 =	simm.s32 @p2 $0x1082  }
0x22: {  	[simem:s7], [sflag:s8] =	dma.local @!p0 [hbm:s6], $0xF7A  }
0x23: {  	s9 =	sor.u32 $0xD0000000, s2;
	s6 =	simm.s32 $0x108;
	_ =	swait.ge @!p0 [sflag:s8], $0x0  }
0x24: {  	s3 =	sadd.s32 $0x88, s3;
	s6 =	simm.s32 @!p1 $0x1082;
	[sflag:s4] =	ssyncset.s32 $0xFFFFF086  }
0x25: {  	[simem:s6], [sflag:s4] =	dma.local [hbm:s3], $0xF7A  }
0x26: {  	[smem:$0x3F99] =	sst s1;
	(tag) =	ssettag s2;
	_ =	strace s9  }
0x27: {  	s1 =	sld [smem:$0x3FA9]  }
0x28: {  	s2 =	sld [smem:$0x3FAA]  }
0x29: {  	s4 =	sld [smem:$0x3FAC]  }
0x2a: {  	p0 =	seq.s32 s5, $0x0;
	s5 =	sld [smem:$0x3FAD]  }
0x2b: {  	s6 =	sld [smem:$0x3FAE]  }
0x2c: {  	s7 =	sld [smem:$0x3FAF]  }
0x2d: {  	s3 =	simm.s32 $0x108;
	s8 =	sld [smem:$0x3FB0]  }
0x2e: {  	s3 =	simm.s32 @!p0 $0x1082;
	s9 =	sld [smem:$0x3FB1]  }
0x2f: {  	lr =	sadd.s32 s0, s3;
	s0 =	sld [smem:$0x3FA8]  }
0x30: {  	s3 =	sld [smem:$0x3FAB]  }
0x31: {  	[smem:$0x3FB4] =	sst s10  }
0x32: {  	s10 =	sld [smem:$0x3FB2];
	_ =	sdelay $0x3  }
0x33: {  	p0 =	seq.s32 s10, $0x1;
	s10 =	sld [smem:$0x3FB4];
	_ =	sdelay $0x3  }
0x34: {  	[smem:$0x3FB4] =	sst s10  }
0x35: {  	s10 =	sld [smem:$0x3FB3];
	_ =	sdelay $0x3  }
0x36: {  	p1 =	seq.s32 s10, $0x1;
	s10 =	sld [smem:$0x3FB4];
	_ =	sdelay $0x3  }
0x37: {  	[smem:$0x3FB4] =	sst s10  }
0x38: {  	s10 =	sld [smem:$0x3FB5]  }
0x39: {  	_ = 	snop;
	(pc) =	sbr.ind lr, $3  }
0x3a: {  	_ = 	snop  }
0x3b: {  	_ = 	snop  }
0x3c: {  	p2 =	seq.s32 s10, $0x1;
	s10 =	sld [smem:$0x3FB4]  }
0x3d: {  	_ =	shalt  }
0x3e: {  	_ =	shalt  }
0x3f: {  	_ =	shalt  }
0x40: {  	_ =	shalt  }
0x41: {  	_ =	shalt  }
0x42: {  	_ =	shalt  }
0x43: {  	_ =	shalt  }
0x44: {  	_ =	shalt  }
0x45: {  	_ =	shalt  }
0x46: {  	_ =	shalt  }
0x47: {  	_ =	shalt  }
0x48: {  	_ =	shalt  }
0x49: {  	_ =	shalt  }
0x4a: {  	_ =	shalt  }
0x4b: {  	_ =	shalt  }
0x4c: {  	_ =	shalt  }
0x4d: {  	_ =	shalt  }
0x4e: {  	_ =	shalt  }
0x4f: {  	_ =	shalt  }
0x50: {  	_ =	shalt  }
0x51: {  	_ =	shalt  }
0x52: {  	_ =	shalt  }
0x53: {  	_ =	shalt  }
0x54: {  	_ =	shalt  }
0x55: {  	_ =	shalt  }
0x56: {  	_ =	shalt  }
0x57: {  	_ =	shalt  }
0x58: {  	_ =	shalt  }
0x59: {  	_ =	shalt  }
0x5a: {  	_ =	shalt  }
0x5b: {  	_ =	shalt  }
0x5c: {  	_ =	shalt  }
0x5d: {  	_ =	shalt  }
0x5e: {  	_ =	shalt  }
0x5f: {  	_ =	shalt  }
0x60: {  	_ =	shalt  }
0x61: {  	_ =	shalt  }
0x62: {  	_ =	shalt  }
0x63: {  	_ =	shalt  }
0x64: {  	_ =	shalt  }
0x65: {  	_ =	shalt  }
0x66: {  	_ =	shalt  }
0x67: {  	_ =	shalt  }
0x68: {  	_ =	shalt  }
0x69: {  	_ =	shalt  }
0x6a: {  	_ =	shalt  }
0x6b: {  	_ =	shalt  }
0x6c: {  	_ =	shalt  }
0x6d: {  	_ =	shalt  }
0x6e: {  	_ =	shalt  }
0x6f: {  	_ =	shalt  }
0x70: {  	_ =	shalt  }
0x71: {  	_ =	shalt  }
0x72: {  	_ =	shalt  }
0x73: {  	_ =	shalt  }
0x74: {  	_ =	shalt  }
0x75: {  	_ =	shalt  }
0x76: {  	_ =	shalt  }
0x77: {  	_ =	shalt  }
0x78: {  	_ =	shalt  }
0x79: {  	_ =	shalt  }
0x7a: {  	_ =	shalt  }
0x7b: {  	_ =	shalt  }
0x7c: {  	_ =	shalt  }
0x7d: {  	_ =	shalt  }
0x7e: {  	_ =	shalt  }
0x7f: {  	_ =	shalt  }
0x80: {  	_ =	shalt  }
0x81: {  	_ =	shalt  }
0x82: {  	_ =	shalt  }
0x83: {  	_ =	shalt  }
0x84: {  	_ =	shalt  }
0x85: {  	_ =	shalt  }
0x86: {  	_ =	shalt  }
0x87: {  	_ =	shalt  }
.Lfunc_end0:
.L_simem_size_0:
called_computation_lowered:
.L_overlay_start_0:
0x88: {  	s2 =	sld [smem:$0x3FD9]  }
0x89: {  	s3 =	sld [smem:$0x3FFE];
	_ =	sdelay $0x1  }
0x8a: {  	s1 =	srdreg.scid  }
0x8b: {  	s0 =	sand.u32 $0x1, s1  }
0x8c: {  	s17 =	sshll.u32 s0, $0xA;
	s2 =	sadd.s32 s3, s2  }
0x8d: {  	s2 =	sadd.s32 s2, s17  }
0x8e: {  	[smem:$0x3FC0] =	sst s2  }
0x8f: {  	_ = 	snop  }
0x90: {  	s2 =	sld [smem:$0x3FC9];
	(tm) =	ssettm $0x1  }
0x91: {  	s18 =	sld [smem:$0x3FFB];
	_ =	sdelay $0x3  }
0x92: {  	_ =	strace s18  }
0x93: {  	s3 =	sld [smem:$0x3FFC];
	_ =	sdelay $0x3  }
0x94: {  	_ =	strace s3  }
0x95: {  	s3 =	sld [smem:$0x3FFD];
	_ =	sdelay $0x3  }
0x96: {  	_ =	strace s3  }
0x97: {  	_ =	strace $0x8FFFFFFF  }
0x98: {  	s19 =	sld [smem:$0x3FDB];
	_ =	sdelay $0x1  }
0x99: {  	s4 =	simm.s32 $_scs_section_size  }
0x9a: {  	s5 =	simm.s32 $_size__tile_overlayer_lowered;
	s6 =	simm.s32 $_tile_overlayer_lowered  }
0x9b: {  	s22 =	simm.s32 $0x1BFF;
	s21 =	sshll.u32 s6, $0x1;
	s3 =	sadd.s32 s4, s19  }
0x9c: {  	s7 =	simm.s32 $0x0;
	s20 =	sshll.u32 s5, $0x1;
	s5 =	sadd.s32 s21, s3  }
0x9d: {  	[timem:s7], [sflag:s22] =	dma.local [hbm:s5], s20  }
0x9e: {  	_ =	swait.ge [sflag:s22], s20  }
0x9f: {  	s4 =	ssub.s32 $0x0, s20;
	[sflag:s22] =	ssyncset.done $0x0  }
0xa0: {  	[sflag:s22] =	ssyncadd.s32 s4;
	_ =	sdelay $0x1  }
0xa1: {  	s23 =	simm.s32 $0x1B8B  }
0xa2: {  	_ =	swait.ge [sflag:s23], $0x1  }
0xa3: {  	[sflag:s23] =	ssyncset.done $0x0  }
0xa4: {  	s25 =	simm.s32 $0x1B8E;
	s24 =	sld [smem:$0x3FFE];
	[sflag:s23] =	ssyncadd.s32 $0xFFFFFFFF  }
0xa5: {  	s26 =	simm.s32 $execute0_lowered;
	[smem:$0x3FD2] =	sst s25  }
0xa6: {  	s5 =	sshll.u32 s26, $0x1;
	_ =	strace $0x80000046;
	[dreg:$0x1] =	wrdreg $0xFFFFFFFF  }
0xa7: {  	s28 =	simm.s32 $_size_execute0_lowered;
	s3 =	sadd.s32 s3, s5;
	[dreg:$0x0] =	wrdreg $0x0  }
0xa8: {  	s5 =	sshll.u32 s28, $0x1;
	[dreg:$0x2] =	wrdreg s3  }
0xa9: {  	[dreg:$0x3] =	wrdreg s5  }
0xaa: {  	[dreg:$0x4] =	wrdreg $0xC0  }
0xab: {  	_ =	task [dreg:s7], $0x5FFFF  }
0xac: {  	[dreg:$0x1] =	wrdreg $0xFFFFFFFF  }
0xad: {  	[dreg:$0x0] =	wrdreg $0x60  }
0xae: {  	[dreg:$0x2] =	wrdreg s2  }
0xaf: {  	[dreg:$0x3] =	wrdreg s24  }
0xb0: {  	[dreg:$0x4] =	wrdreg $0x9  }
0xb1: {  	_ =	task.clear_ibuf [dreg:s7], $0x5FFFF;
	_ =	strace $0x90000046  }
0xb2: {  	s29 =	simm.s32 $0x9;
	_ =	strace $0x80000048  }
0xb3: {  	_ =	swait.ge [sflag:s29], $0x1  }
0xb4: {  	[sflag:s29] =	ssyncadd.s32 $0xFFFFFFFF  }
0xb5: {  	_ =	strace $0x90000048  }
0xb6: {  	_ =	sfence  }
0xb7: {  	s30 =	sld [smem:$0x0];
	_ =	sdelay $0x2  }
0xb8: {  	s31 =	sshll.u32 s1, $0xD;
	s1 =	sshrl.u32 s1, $0x2  }
0xb9: {  	s3 =	sand.u32 $0x4000, s31;
	s1 =	sadd.s32 s1, s30  }
0xba: {  	s0 =	sor.u32 s3, s0;
	s1 =	sshll.u32 s1, $0x11  }
0xbb: {  	s0 =	sor.u32 s1, s0  }
0xbc: {  	s0 =	sadd.s32 $0x8F2B, s0  }
0xbd: {  	[sflag:s0] =	ssyncadd.remote.s32 $0x1  }
0xbe: {  	_ =	sfence.sel $0xFFFF  }
0xbf: {  	[dreg:$0x0] =	wrdreg $0xFFFFFFFF;
	(pc) =	sbr.abs _section_cstart, $3  }
0xc0: {  	[dreg:$0x1] =	wrdreg $0xFFFFFFFF  }
0xc1: {  	_ =	task.clear_ibuf [dreg:s7], $0x2FFFF;
	_ =	strace $0x9FFFFFFF  }
0xc2: {  	(tm) =	ssettm $0x7FFFFFFF  }
0xc3: {  	_ =	shalt  }
tec
execute0_lowered:
.L_overlay_start_1:
0x0: {  	(tag) =	ssettag $0x1  }
0x1: {  	s1 =	srdreg.scid  }
0x2: {  	s3 =	rddreg [dreg:$0x0];
	s0 =	stileid.u32  }
0x3: {  	s5 =	rddreg [dreg:$0x1];
	s2 =	simm.s32 $0x0;
	s8 =	simm.s32 $0x80  }
0x4: {  	s26 =	simm.s32 $0x880;
	s9 =	simm.s32 $0x1080;
	s10 =	simm.s32 $0x1880  }
0x5: {  	s11 =	simm.s32 $0x2080;
	s12 =	simm.s32 $0x2880;
	s13 =	simm.s32 $0x3080  }
0x6: {  	s14 =	simm.s32 $0x3880;
	s15 =	simm.s32 $0x4080;
	s16 =	simm.s32 $0x4880  }
0x7: {  	s17 =	simm.s32 $0x5080;
	s18 =	simm.s32 $0x5880;
	s19 =	simm.s32 $0x6080  }
0x8: {  	s20 =	simm.s32 $0x6880;
	s21 =	simm.s32 $0x7080;
	s22 =	simm.s32 $0x7880  }
0x9: {  	s23 =	simm.s32 $0x8080;
	s24 =	simm.s32 $0x8880;
	s25 =	simm.s32 $0x9080  }
0xa: {  	s28 =	simm.s32 $0xA080;
	s29 =	simm.s32 $0xA880;
	s30 =	simm.s32 $0xB080  }
0xb: {  	s31 =	simm.s32 $0xB880;
	s1 =	sand.u32 $0x1, s1;
	[smem:$0x7FF] =	sst s2  }
0xc: {  	s4 =	sshll.u32 s0, $0x4;
	s6 =	sshll.u32 s1, $0x3;
	_ =	strace $0x80000047  }
0xd: {  	s1 =	ssub.s32 $0x2, s1;
	[dreg:$0x5] =	wrdreg s26;
	s4 =	sor.u32 s6, s4  }
0xe: {  	s7 =	sshrl.u32 s1, $0x1;
	s6 =	sadd.s32 s4, s5;
	s4 =	smul.u32 $0x300, s4  }
0xf: {  	s26 =	simm.s32 $0x9880;
	s1 =	ssub.s32 s1, s7;
	s6 =	sadd.s32 $0x1000, s6  }
0x10: {  	v2 =	vlaneseq.u32;
	s7 =	simm.s32 $0x2;
	[dreg:$0x3] =	wrdreg s6;
	s4 =	sadd.s32 s3, s4  }
0x11: {  	vm0 =	vmmov $0xffff;
	v1 =	vshrl.u32 v2, $0x3;
	s3 =	sadd.s32 $0x1200, s5;
	s6 =	smax.u32 s1, $0x1;
	s1 =	simm.s32 $0x1  }
0x12: {  	v0 =	vand.u32 $0x7, v2;
	v2 =	vor.u32 $0x8, v2;
	v1 =	vmul.u32 $0x8, v1;
	[dreg:$0x4] =	wrdreg s4;
	s4 =	sadd.s32 $0x1300, s5;
	s5 =	sadd.s32 $0x1400, s5  }
.LBB2_1:
0x13: {  	s0 =	rddreg [dreg:$0x3]  }
0x14: {  	[tilespmem:s2], [sflag:$0x2] =	stream.linear.gather [hbm4b:s0+s2], $0x40, $0x38;
	[tilespmem:$0xC080] =	vst v63  }
0x15: {  	_ =	swait.ge [sflag:s7], $0x40  }
0x16: {  	[sflag:s7] =	ssyncset.done $0x0  }
0x17: {  	s0 =	rddreg [dreg:$0x4];
	[sflag:s7] =	ssyncadd.s32 $0xFFFFFFC0  }
0x18: {  	[tilespmem:s8], [sflag:$0x2] =	stream.linear.gather [hbm4b:s0+s2], $0xC000, $0x38;
	[tilespmem:$0xC080] =	vst v63  }
0x19: {  	_ =	swait.ge [sflag:s7], $0xC000  }
0x1a: {  	[sflag:s7] =	ssyncset.done $0x0  }
0x1b: {  	[sflag:s7] =	ssyncadd.s32 $0xFFFF4000  }
0x1c: {  	v3 =	vld [tilespmem:$0x0];
	_ =	sdelay $0x4  }
0x1d: {  	v4 =	vshrl.u32 v3, $0x3  }
0x1e: {  	v4 =	vmul.u32 $0x30, v4  }
0x1f: {  	v3 =	vand.u32 $0x7, v3  }
0x20: {  	v3 =	vor.u32 v3, v4  }
0x21: {  	v4 =	vperm.xlane v3, v0;
	_ =	sdelay $0x1  }
0x22: {  	v4 =	vadd.s32 v1, v4;
	_ =	sdelay $0x3  }
0x23: {  	v3 =	vperm.xlane v3, v2  }
0x24: {  	[hbm4b:s3+s2] =	stream.indirect_vreg.scatter [tilespmem:s8], [sflag:$0x1], $0x80, v4, vm0, $0xb8;
	[tilespmem:$0xC080] =	vst v63  }
0x25: {  	s0 =	rddreg [dreg:$0x5];
	v3 =	vadd.s32 v1, v3  }
0x26: {  	[hbm4b:s4+s2] =	stream.indirect_vreg.scatter [tilespmem:s0], [sflag:$0x1], $0x80, v4, vm0, $0xb8;
	[tilespmem:$0xC080] =	vst v63  }
0x27: {  	_ = 	snop  }
0x28: {  	[hbm4b:s5+s2] =	stream.indirect_vreg.scatter [tilespmem:s9], [sflag:$0x1], $0x80, v4, vm0, $0xb8;
	[tilespmem:$0xC080] =	vst v63  }
0x29: {  	_ = 	snop  }
0x2a: {  	[hbm4b:s3+s2] =	stream.indirect_vreg.scatter [tilespmem:s10], [sflag:$0x1], $0x80, v3, vm0, $0xb8;
	[tilespmem:$0xC080] =	vst v63  }
0x2b: {  	_ = 	snop  }
0x2c: {  	[hbm4b:s4+s2] =	stream.indirect_vreg.scatter [tilespmem:s11], [sflag:$0x1], $0x80, v3, vm0, $0xb8;
	[tilespmem:$0xC080] =	vst v63  }
0x2d: {  	_ = 	snop  }
0x2e: {  	[hbm4b:s5+s2] =	stream.indirect_vreg.scatter [tilespmem:s12], [sflag:$0x1], $0x80, v3, vm0, $0xb8;
	[tilespmem:$0xC080] =	vst v63  }
0x2f: {  	v3 =	vld [tilespmem:$0x10];
	_ =	sdelay $0x4  }
0x30: {  	v61 =	vshrl.u32 v3, $0x3  }
0x31: {  	v4 =	vmul.u32 $0x30, v61  }
0x32: {  	v3 =	vand.u32 $0x7, v3  }
0x33: {  	v3 =	vor.u32 v3, v4  }
0x34: {  	v4 =	vperm.xlane v3, v0;
	_ =	sdelay $0x1  }
0x35: {  	v4 =	vadd.s32 v1, v4;
	_ =	sdelay $0x3  }
0x36: {  	v3 =	vperm.xlane v3, v2  }
0x37: {  	[hbm4b:s3+s2] =	stream.indirect_vreg.scatter [tilespmem:s13], [sflag:$0x1], $0x80, v4, vm0, $0xb8;
	[tilespmem:$0xC080] =	vst v63  }
0x38: {  	v3 =	vadd.s32 v1, v3  }
0x39: {  	[hbm4b:s4+s2] =	stream.indirect_vreg.scatter [tilespmem:s14], [sflag:$0x1], $0x80, v4, vm0, $0xb8;
	[tilespmem:$0xC080] =	vst v63  }
0x3a: {  	_ = 	snop  }
0x3b: {  	[hbm4b:s5+s2] =	stream.indirect_vreg.scatter [tilespmem:s15], [sflag:$0x1], $0x80, v4, vm0, $0xb8;
	[tilespmem:$0xC080] =	vst v63  }
0x3c: {  	_ = 	snop  }
0x3d: {  	[hbm4b:s3+s2] =	stream.indirect_vreg.scatter [tilespmem:s16], [sflag:$0x1], $0x80, v3, vm0, $0xb8;
	[tilespmem:$0xC080] =	vst v63  }
0x3e: {  	_ = 	snop  }
0x3f: {  	[hbm4b:s4+s2] =	stream.indirect_vreg.scatter [tilespmem:s17], [sflag:$0x1], $0x80, v3, vm0, $0xb8;
	[tilespmem:$0xC080] =	vst v63  }
0x40: {  	_ = 	snop  }
0x41: {  	[hbm4b:s5+s2] =	stream.indirect_vreg.scatter [tilespmem:s18], [sflag:$0x1], $0x80, v3, vm0, $0xb8;
	[tilespmem:$0xC080] =	vst v63  }
0x42: {  	v3 =	vld [tilespmem:$0x20];
	_ =	sdelay $0x4  }
0x43: {  	v62 =	vshrl.u32 v3, $0x3  }
0x44: {  	v4 =	vmul.u32 $0x30, v62  }
0x45: {  	v3 =	vand.u32 $0x7, v3  }
0x46: {  	v3 =	vor.u32 v3, v4  }
0x47: {  	v4 =	vperm.xlane v3, v0;
	_ =	sdelay $0x1  }
0x48: {  	v4 =	vadd.s32 v1, v4;
	_ =	sdelay $0x3  }
0x49: {  	v3 =	vperm.xlane v3, v2  }
0x4a: {  	[hbm4b:s3+s2] =	stream.indirect_vreg.scatter [tilespmem:s19], [sflag:$0x1], $0x80, v4, vm0, $0xb8;
	[tilespmem:$0xC080] =	vst v63  }
0x4b: {  	v3 =	vadd.s32 v1, v3  }
0x4c: {  	[hbm4b:s4+s2] =	stream.indirect_vreg.scatter [tilespmem:s20], [sflag:$0x1], $0x80, v4, vm0, $0xb8;
	[tilespmem:$0xC080] =	vst v63  }
0x4d: {  	_ = 	snop  }
0x4e: {  	[hbm4b:s5+s2] =	stream.indirect_vreg.scatter [tilespmem:s21], [sflag:$0x1], $0x80, v4, vm0, $0xb8;
	[tilespmem:$0xC080] =	vst v63  }
0x4f: {  	_ = 	snop  }
0x50: {  	[hbm4b:s3+s2] =	stream.indirect_vreg.scatter [tilespmem:s22], [sflag:$0x1], $0x80, v3, vm0, $0xb8;
	[tilespmem:$0xC080] =	vst v63  }
0x51: {  	_ = 	snop  }
0x52: {  	[hbm4b:s4+s2] =	stream.indirect_vreg.scatter [tilespmem:s23], [sflag:$0x1], $0x80, v3, vm0, $0xb8;
	[tilespmem:$0xC080] =	vst v63  }
0x53: {  	_ = 	snop  }
0x54: {  	[hbm4b:s5+s2] =	stream.indirect_vreg.scatter [tilespmem:s24], [sflag:$0x1], $0x80, v3, vm0, $0xb8;
	[tilespmem:$0xC080] =	vst v63  }
0x55: {  	v3 =	vld [tilespmem:$0x30];
	_ =	sdelay $0x4  }
0x56: {  	v63 =	vshrl.u32 v3, $0x3  }
0x57: {  	v4 =	vmul.u32 $0x30, v63  }
0x58: {  	v3 =	vand.u32 $0x7, v3  }
0x59: {  	v3 =	vor.u32 v3, v4  }
0x5a: {  	v4 =	vperm.xlane v3, v0;
	_ =	sdelay $0x1  }
0x5b: {  	v4 =	vadd.s32 v1, v4;
	_ =	sdelay $0x3  }
0x5c: {  	v3 =	vperm.xlane v3, v2  }
0x5d: {  	[hbm4b:s3+s2] =	stream.indirect_vreg.scatter [tilespmem:s25], [sflag:$0x1], $0x80, v4, vm0, $0xb8;
	[tilespmem:$0xC080] =	vst v63  }
0x5e: {  	v3 =	vadd.s32 v1, v3  }
0x5f: {  	[hbm4b:s4+s2] =	stream.indirect_vreg.scatter [tilespmem:s26], [sflag:$0x1], $0x80, v4, vm0, $0xb8;
	[tilespmem:$0xC080] =	vst v63  }
0x60: {  	_ = 	snop  }
0x61: {  	[hbm4b:s5+s2] =	stream.indirect_vreg.scatter [tilespmem:s28], [sflag:$0x1], $0x80, v4, vm0, $0xb8;
	[tilespmem:$0xC080] =	vst v63  }
0x62: {  	_ = 	snop  }
0x63: {  	[hbm4b:s3+s2] =	stream.indirect_vreg.scatter [tilespmem:s29], [sflag:$0x1], $0x80, v3, vm0, $0xb8;
	[tilespmem:$0xC080] =	vst v63  }
0x64: {  	p0 =	sne.s32 s6, $0x1  }
0x65: {  	[hbm4b:s4+s2] =	stream.indirect_vreg.scatter [tilespmem:s30], [sflag:$0x1], $0x80, v3, vm0, $0xb8;
	[tilespmem:$0xC080] =	vst v63  }
.Ltmp0:
0x66: {  	_ = 	snop;
	(pc) =	sbr.rel @p0 .LBB2_1-.Ltmp0, $4  }
0x67: {  	[hbm4b:s5+s2] =	stream.indirect_vreg.scatter [tilespmem:s31], [sflag:$0x1], $0x80, v3, vm0, $0xb8;
	[tilespmem:$0xC080] =	vst v63  }
0x68: {  	_ =	swait.ge [sflag:s1], $0xC000  }
0x69: {  	[sflag:s1] =	ssyncset.done $0x0  }
0x6a: {  	s6 =	sadd.s32 $0xFFFFFFFF, s6;
	[sflag:s1] =	ssyncadd.s32 $0xFFFF4000  }
0x6b: {  	_ =	sfence.sel $0x180000  }
0x6c: {  	[bflag:$0x0] =	sbarrier.arrive $0xFFFF  }
0x6d: {  	_ =	strace $0x90000047  }
0x6e: {  	s0 =	stileid.u32;
	[bflag:$0x2] =	sbarrier.arrive $0xFFFF  }
0x6f: {  	p0 =	sne.s32 s0, $0x0;
	s0 =	rddreg [dreg:$0x2]  }
0x70: {  	s0 =	sadd.s32 @!p0 $0x100000, s0  }
0x71: {  	[sflag:s0] =	ssyncadd.tile.s32 @!p0 $0x1;
	_ =	shalt  }
.Lfunc_end2:
_tile_overlayer_lowered:
.L_overlay_start_2:
0x72: {  	(tag) =	ssettag $0x2  }
0x73: {  	s0 =	rddreg [dreg:$0x0];
	s2 =	stileid.u32  }
0x74: {  	s1 =	rddreg [dreg:$0x1];
	p0 =	sne.s32 s2, $0x0  }
0x75: {  	s3 =	rddreg [dreg:$0x2];
	[bflag:$0x3] =	sbarrier.arrive $0xFFFF;
	s2 =	simm.s32 @!p0 $0x1C02  }
0x76: {  	[timem:s3], [sflag:s2] =	dma.local @!p0 [hbm:s0], s1  }
0x77: {  	s0 =	simm.s32 @!p0 $0x2  }
0x78: {  	_ =	swait.ge @!p0 [sflag:s0], s1  }
0x79: {  	s1 =	ssub.s32 @!p0 $0x0, s1;
	[sflag:s0] =	ssyncset.done @!p0 $0x0  }
0x7a: {  	[sflag:s0] =	ssyncadd.s32 @!p0 s1  }
0x7b: {  	[bflag:$0x3] =	sbarrier.arrive $0xFFFF  }
0x7c: {  	_ =	shalt  }

// kernel: kernel.9.cloned.1.call-start
scs
__scs_entry_jumppad:
0x0: {  	(pc) =	sbr.rel $0x88, $3  }
0x1: {  	(tag) =	ssettag $0x0;
	lr =	simm.s32 $0x1  }
0x2: {  	[smem:$0x3F99] =	sst lr;
	_ =	strace $0xD0000000  }
0x3: {  	_ = 	snop  }
0x4: {  	_ = 	snop  }
0x5: {  	_ = 	snop  }
0x6: {  	_ = 	snop  }
0x7: {  	_ = 	snop  }
__scs_overlays_trampoline_lowered:
0x8: {  	[smem:$0x3FA8] =	sst s0  }
0x9: {  	[smem:$0x3FA9] =	sst s1  }
0xa: {  	[smem:$0x3FAA] =	sst s2  }
0xb: {  	[smem:$0x3FAB] =	sst s3  }
0xc: {  	[smem:$0x3FAC] =	sst s4  }
0xd: {  	[smem:$0x3FAD] =	sst s5  }
0xe: {  	[smem:$0x3FAE] =	sst s6  }
0xf: {  	[smem:$0x3FAF] =	sst s7  }
0x10: {  	[smem:$0x3FB0] =	sst s8  }
0x11: {  	[smem:$0x3FB1] =	sst s9;
	s0 =	simm.s32 @!p0 $0x0  }
0x12: {  	s1 =	sld [smem:$0x3F97];
	s0 =	simm.s32 @p0 $0x1  }
0x13: {  	[smem:$0x3FB2] =	sst s0;
	s0 =	simm.s32 @!p1 $0x0  }
0x14: {  	s2 =	sld [smem:$0x3F96];
	s0 =	simm.s32 @p1 $0x1  }
0x15: {  	[smem:$0x3FB3] =	sst s0;
	s0 =	simm.s32 @!p2 $0x0  }
0x16: {  	s3 =	sld [smem:$0x3FDB];
	s0 =	simm.s32 @p2 $0x1  }
0x17: {  	s4 =	simm.s32 $0x1BF5;
	[smem:$0x3FB5] =	sst s0  }
0x18: {  	s0 =	sld [smem:$0x3F98];
	_ =	swait.ge [sflag:s4], $0x0  }
0x19: {  	s7 =	sld [smem:$0x3F99]  }
0x1a: {  	s8 =	sadd.s32 $0xFFFFE003, lr  }
0x1b: {  	s9 =	sadd.s32 $0xFFFFFEF7, lr;
	s5 =	simm.s32 $0xFFFFFFFF;
	p2 =	slt.u32 s8, $0xFFFFF086  }
0x1c: {  	p1 =	slt.u32 s9, $0xF7A;
	s5 =	simm.s32 @!p2 $0x0  }
0x1d: {  	s5 =	simm.s32 @p1 $0x1;
	p0 =	seq.s32 s7, s2  }
0x1e: {  	s7 =	smul.u32 @!p0 $0xF7A, s2;
	p2 =	seq.s32 @!p0 s5, $0x0  }
0x1f: {  	s9 =	smul.u32 $0xF7A, s1;
	s8 =	simm.s32 @!p0 $0x1BF5;
	p2 =	por !p2, p0  }
0x20: {  	[sflag:s8] =	ssyncset.s32 @!p0 $0xFFFFF086;
	s6 =	sadd.s32 @!p0 s3, s7;
	s7 =	simm.s32 @!p0 $0x108  }
0x21: {  	s3 =	sadd.s32 s3, s9;
	s6 =	sadd.s32 @!p0 $0x88, s6;
	s7 =	simm.s32 @p2 $0x1082  }
0x22: {  	[simem:s7], [sflag:s8] =	dma.local @!p0 [hbm:s6], $0xF7A  }
0x23: {  	s9 =	sor.u32 $0xD0000000, s2;
	s6 =	simm.s32 $0x108;
	_ =	swait.ge @!p0 [sflag:s8], $0x0  }
0x24: {  	s3 =	sadd.s32 $0x88, s3;
	s6 =	simm.s32 @!p1 $0x1082;
	[sflag:s4] =	ssyncset.s32 $0xFFFFF086  }
0x25: {  	[simem:s6], [sflag:s4] =	dma.local [hbm:s3], $0xF7A  }
0x26: {  	[smem:$0x3F99] =	sst s1;
	(tag) =	ssettag s2;
	_ =	strace s9  }
0x27: {  	s1 =	sld [smem:$0x3FA9]  }
0x28: {  	s2 =	sld [smem:$0x3FAA]  }
0x29: {  	s4 =	sld [smem:$0x3FAC]  }
0x2a: {  	p0 =	seq.s32 s5, $0x0;
	s5 =	sld [smem:$0x3FAD]  }
0x2b: {  	s6 =	sld [smem:$0x3FAE]  }
0x2c: {  	s7 =	sld [smem:$0x3FAF]  }
0x2d: {  	s3 =	simm.s32 $0x108;
	s8 =	sld [smem:$0x3FB0]  }
0x2e: {  	s3 =	simm.s32 @!p0 $0x1082;
	s9 =	sld [smem:$0x3FB1]  }
0x2f: {  	lr =	sadd.s32 s0, s3;
	s0 =	sld [smem:$0x3FA8]  }
0x30: {  	s3 =	sld [smem:$0x3FAB]  }
0x31: {  	[smem:$0x3FB4] =	sst s10  }
0x32: {  	s10 =	sld [smem:$0x3FB2];
	_ =	sdelay $0x3  }
0x33: {  	p0 =	seq.s32 s10, $0x1;
	s10 =	sld [smem:$0x3FB4];
	_ =	sdelay $0x3  }
0x34: {  	[smem:$0x3FB4] =	sst s10  }
0x35: {  	s10 =	sld [smem:$0x3FB3];
	_ =	sdelay $0x3  }
0x36: {  	p1 =	seq.s32 s10, $0x1;
	s10 =	sld [smem:$0x3FB4];
	_ =	sdelay $0x3  }
0x37: {  	[smem:$0x3FB4] =	sst s10  }
0x38: {  	s10 =	sld [smem:$0x3FB5]  }
0x39: {  	_ = 	snop;
	(pc) =	sbr.ind lr, $3  }
0x3a: {  	_ = 	snop  }
0x3b: {  	_ = 	snop  }
0x3c: {  	p2 =	seq.s32 s10, $0x1;
	s10 =	sld [smem:$0x3FB4]  }
0x3d: {  	_ =	shalt  }
0x3e: {  	_ =	shalt  }
0x3f: {  	_ =	shalt  }
0x40: {  	_ =	shalt  }
0x41: {  	_ =	shalt  }
0x42: {  	_ =	shalt  }
0x43: {  	_ =	shalt  }
0x44: {  	_ =	shalt  }
0x45: {  	_ =	shalt  }
0x46: {  	_ =	shalt  }
0x47: {  	_ =	shalt  }
0x48: {  	_ =	shalt  }
0x49: {  	_ =	shalt  }
0x4a: {  	_ =	shalt  }
0x4b: {  	_ =	shalt  }
0x4c: {  	_ =	shalt  }
0x4d: {  	_ =	shalt  }
0x4e: {  	_ =	shalt  }
0x4f: {  	_ =	shalt  }
0x50: {  	_ =	shalt  }
0x51: {  	_ =	shalt  }
0x52: {  	_ =	shalt  }
0x53: {  	_ =	shalt  }
0x54: {  	_ =	shalt  }
0x55: {  	_ =	shalt  }
0x56: {  	_ =	shalt  }
0x57: {  	_ =	shalt  }
0x58: {  	_ =	shalt  }
0x59: {  	_ =	shalt  }
0x5a: {  	_ =	shalt  }
0x5b: {  	_ =	shalt  }
0x5c: {  	_ =	shalt  }
0x5d: {  	_ =	shalt  }
0x5e: {  	_ =	shalt  }
0x5f: {  	_ =	shalt  }
0x60: {  	_ =	shalt  }
0x61: {  	_ =	shalt  }
0x62: {  	_ =	shalt  }
0x63: {  	_ =	shalt  }
0x64: {  	_ =	shalt  }
0x65: {  	_ =	shalt  }
0x66: {  	_ =	shalt  }
0x67: {  	_ =	shalt  }
0x68: {  	_ =	shalt  }
0x69: {  	_ =	shalt  }
0x6a: {  	_ =	shalt  }
0x6b: {  	_ =	shalt  }
0x6c: {  	_ =	shalt  }
0x6d: {  	_ =	shalt  }
0x6e: {  	_ =	shalt  }
0x6f: {  	_ =	shalt  }
0x70: {  	_ =	shalt  }
0x71: {  	_ =	shalt  }
0x72: {  	_ =	shalt  }
0x73: {  	_ =	shalt  }
0x74: {  	_ =	shalt  }
0x75: {  	_ =	shalt  }
0x76: {  	_ =	shalt  }
0x77: {  	_ =	shalt  }
0x78: {  	_ =	shalt  }
0x79: {  	_ =	shalt  }
0x7a: {  	_ =	shalt  }
0x7b: {  	_ =	shalt  }
0x7c: {  	_ =	shalt  }
0x7d: {  	_ =	shalt  }
0x7e: {  	_ =	shalt  }
0x7f: {  	_ =	shalt  }
0x80: {  	_ =	shalt  }
0x81: {  	_ =	shalt  }
0x82: {  	_ =	shalt  }
0x83: {  	_ =	shalt  }
0x84: {  	_ =	shalt  }
0x85: {  	_ =	shalt  }
0x86: {  	_ =	shalt  }
0x87: {  	_ =	shalt  }
.Lfunc_end0:
.L_simem_size_0:
called_computation.1_lowered:
.L_overlay_start_0:
0x88: {  	s2 =	sld [smem:$0x3FD9]  }
0x89: {  	s3 =	sld [smem:$0x3FFE];
	_ =	sdelay $0x1  }
0x8a: {  	s1 =	srdreg.scid  }
0x8b: {  	s0 =	sand.u32 $0x1, s1  }
0x8c: {  	s17 =	sshll.u32 s0, $0xA;
	s2 =	sadd.s32 s3, s2  }
0x8d: {  	s2 =	sadd.s32 s2, s17  }
0x8e: {  	[smem:$0x3FC0] =	sst s2  }
0x8f: {  	_ = 	snop  }
0x90: {  	s2 =	sld [smem:$0x3FD0];
	(tm) =	ssettm $0x1  }
0x91: {  	s18 =	sld [smem:$0x3FFB];
	_ =	sdelay $0x3  }
0x92: {  	_ =	strace s18  }
0x93: {  	s3 =	sld [smem:$0x3FFC];
	_ =	sdelay $0x3  }
0x94: {  	_ =	strace s3  }
0x95: {  	s3 =	sld [smem:$0x3FFD];
	_ =	sdelay $0x3  }
0x96: {  	_ =	strace s3  }
0x97: {  	_ =	strace $0x8FFFFFFF  }
0x98: {  	s19 =	sld [smem:$0x3FDB];
	_ =	sdelay $0x1  }
0x99: {  	s4 =	simm.s32 $_scs_section_size  }
0x9a: {  	s5 =	simm.s32 $_size__tile_overlayer_lowered;
	s6 =	simm.s32 $_tile_overlayer_lowered  }
0x9b: {  	s22 =	simm.s32 $0x1BFF;
	s21 =	sshll.u32 s6, $0x1;
	s3 =	sadd.s32 s4, s19  }
0x9c: {  	s7 =	simm.s32 $0x0;
	s20 =	sshll.u32 s5, $0x1;
	s5 =	sadd.s32 s21, s3  }
0x9d: {  	[timem:s7], [sflag:s22] =	dma.local [hbm:s5], s20  }
0x9e: {  	_ =	swait.ge [sflag:s22], s20  }
0x9f: {  	s4 =	ssub.s32 $0x0, s20;
	[sflag:s22] =	ssyncset.done $0x0  }
0xa0: {  	[sflag:s22] =	ssyncadd.s32 s4;
	_ =	sdelay $0x1  }
0xa1: {  	s23 =	simm.s32 $0x1B8B  }
0xa2: {  	_ =	swait.ge [sflag:s23], $0x1  }
0xa3: {  	[sflag:s23] =	ssyncset.done $0x0  }
0xa4: {  	s25 =	simm.s32 $0x1B8E;
	s24 =	sld [smem:$0x3FFE];
	[sflag:s23] =	ssyncadd.s32 $0xFFFFFFFF  }
0xa5: {  	s26 =	simm.s32 $execute0_lowered;
	[smem:$0x3FD2] =	sst s25  }
0xa6: {  	s5 =	sshll.u32 s26, $0x1;
	_ =	strace $0x80000049;
	[dreg:$0x1] =	wrdreg $0xFFFFFFFF  }
0xa7: {  	s28 =	simm.s32 $_size_execute0_lowered;
	s3 =	sadd.s32 s3, s5;
	[dreg:$0x0] =	wrdreg $0x0  }
0xa8: {  	s5 =	sshll.u32 s28, $0x1;
	[dreg:$0x2] =	wrdreg s3  }
0xa9: {  	[dreg:$0x3] =	wrdreg s5  }
0xaa: {  	[dreg:$0x4] =	wrdreg $0xC0  }
0xab: {  	_ =	task [dreg:s7], $0x5FFFF  }
0xac: {  	[dreg:$0x1] =	wrdreg $0xFFFFFFFF  }
0xad: {  	[dreg:$0x0] =	wrdreg $0x60  }
0xae: {  	[dreg:$0x2] =	wrdreg s24  }
0xaf: {  	[dreg:$0x3] =	wrdreg s2  }
0xb0: {  	[dreg:$0x4] =	wrdreg $0x9  }
0xb1: {  	_ =	task.clear_ibuf [dreg:s7], $0x5FFFF;
	_ =	strace $0x90000049  }
0xb2: {  	s29 =	simm.s32 $0x9;
	_ =	strace $0x8000004B  }
0xb3: {  	_ =	swait.ge [sflag:s29], $0x1  }
0xb4: {  	[sflag:s29] =	ssyncadd.s32 $0xFFFFFFFF  }
0xb5: {  	_ =	strace $0x9000004B  }
0xb6: {  	_ =	sfence  }
0xb7: {  	s30 =	sld [smem:$0x0];
	_ =	sdelay $0x2  }
0xb8: {  	s31 =	sshll.u32 s1, $0xD;
	s1 =	sshrl.u32 s1, $0x2  }
0xb9: {  	s3 =	sand.u32 $0x4000, s31;
	s1 =	sadd.s32 s1, s30  }
0xba: {  	s0 =	sor.u32 s3, s0;
	s1 =	sshll.u32 s1, $0x11  }
0xbb: {  	s0 =	sor.u32 s1, s0  }
0xbc: {  	s0 =	sadd.s32 $0x8F2B, s0  }
0xbd: {  	[sflag:s0] =	ssyncadd.remote.s32 $0x1  }
0xbe: {  	_ =	sfence.sel $0xFFFF  }
0xbf: {  	[dreg:$0x0] =	wrdreg $0xFFFFFFFF;
	(pc) =	sbr.abs _section_cstart, $3  }
0xc0: {  	[dreg:$0x1] =	wrdreg $0xFFFFFFFF  }
0xc1: {  	_ =	task.clear_ibuf [dreg:s7], $0x2FFFF;
	_ =	strace $0x9FFFFFFF  }
0xc2: {  	(tm) =	ssettm $0x7FFFFFFF  }
0xc3: {  	_ =	shalt  }
tec
execute0_lowered:
.L_overlay_start_1:
0x0: {  	(tag) =	ssettag $0x1  }
0x1: {  	s0 =	rddreg [dreg:$0x0]  }
0x2: {  	s5 =	rddreg [dreg:$0x1];
	s3 =	srdreg.scid  }
0x3: {  	s2 =	simm.s32 $0x0;
	s1 =	stileid.u32;
	s26 =	simm.s32 $0x880  }
0x4: {  	s10 =	simm.s32 $0x1880;
	s11 =	simm.s32 $0x2080;
	s12 =	simm.s32 $0x2880  }
0x5: {  	s13 =	simm.s32 $0x3080;
	s14 =	simm.s32 $0x3880;
	s15 =	simm.s32 $0x4080  }
0x6: {  	s16 =	simm.s32 $0x4880;
	s17 =	simm.s32 $0x5080;
	s18 =	simm.s32 $0x5880  }
0x7: {  	s19 =	simm.s32 $0x6080;
	s20 =	simm.s32 $0x6880;
	s21 =	simm.s32 $0x7080  }
0x8: {  	s22 =	simm.s32 $0x7880;
	s28 =	simm.s32 $0xA080;
	s29 =	simm.s32 $0xA880  }
0x9: {  	s30 =	simm.s32 $0xB080;
	s31 =	simm.s32 $0xB880;
	s3 =	sand.u32 $0x1, s3  }
0xa: {  	[smem:$0x7FF] =	sst s2;
	s4 =	sshll.u32 s1, $0x4;
	s6 =	sshll.u32 s3, $0x3  }
0xb: {  	_ =	strace $0x8000004A;
	s23 =	ssub.s32 $0x2, s3;
	s3 =	sadd.s32 $0x1200, s0  }
0xc: {  	[dreg:$0x5] =	wrdreg s26;
	s26 =	simm.s32 $0x9880;
	s4 =	sor.u32 s6, s4  }
0xd: {  	s8 =	sshrl.u32 s23, $0x1;
	s7 =	sadd.s32 s4, s0;
	s9 =	smul.u32 $0x300, s4  }
0xe: {  	s6 =	ssub.s32 s23, s8;
	s4 =	sadd.s32 $0x1300, s0;
	s8 =	simm.s32 $0x80  }
0xf: {  	s23 =	simm.s32 $0x8080;
	s24 =	sadd.s32 $0x1000, s7;
	s6 =	smax.u32 s6, $0x1  }
0x10: {  	v2 =	vlaneseq.u32;
	s7 =	simm.s32 $0x2;
	[dreg:$0x3] =	wrdreg s24;
	s25 =	sadd.s32 s5, s9  }
0x11: {  	vm0 =	vmmov $0xffff;
	v1 =	vshrl.u32 v2, $0x3;
	s5 =	sadd.s32 $0x1400, s0;
	s9 =	simm.s32 $0x1080;
	s24 =	simm.s32 $0x8880  }
0x12: {  	v0 =	vand.u32 $0x7, v2;
	v2 =	vor.u32 $0x8, v2;
	v1 =	vmul.u32 $0x8, v1;
	s0 =	simm.s32 $0x1;
	[dreg:$0x4] =	wrdreg s25;
	s25 =	simm.s32 $0x9080  }
.LBB2_1:
0x13: {  	s1 =	rddreg [dreg:$0x3]  }
0x14: {  	[tilespmem:s2], [sflag:$0x2] =	stream.linear.gather [hbm4b:s1+s2], $0x40, $0x38;
	[tilespmem:$0xC080] =	vst v63  }
0x15: {  	_ =	swait.ge [sflag:s7], $0x40  }
0x16: {  	[sflag:s7] =	ssyncset.done $0x0  }
0x17: {  	[sflag:s7] =	ssyncadd.s32 $0xFFFFFFC0  }
0x18: {  	v3 =	vld [tilespmem:$0x0];
	_ =	sdelay $0x4  }
0x19: {  	v4 =	vshrl.u32 v3, $0x3  }
0x1a: {  	v4 =	vmul.u32 $0x30, v4  }
0x1b: {  	v3 =	vand.u32 $0x7, v3  }
0x1c: {  	v3 =	vor.u32 v3, v4  }
0x1d: {  	v4 =	vperm.xlane v3, v0;
	_ =	sdelay $0x1  }
0x1e: {  	v4 =	vadd.s32 v1, v4;
	_ =	sdelay $0x3  }
0x1f: {  	v3 =	vperm.xlane v3, v2  }
0x20: {  	[tilespmem:s8], [sflag:$0x1] =	stream.indirect_vreg.gather [hbm4b:s3+s2], $0x80, v4, vm0, $0xb8;
	[tilespmem:$0xC080] =	vst v63  }
0x21: {  	s1 =	rddreg [dreg:$0x5];
	v3 =	vadd.s32 v1, v3  }
0x22: {  	[tilespmem:s1], [sflag:$0x1] =	stream.indirect_vreg.gather [hbm4b:s4+s2], $0x80, v4, vm0, $0xb8;
	[tilespmem:$0xC080] =	vst v63  }
0x23: {  	_ = 	snop  }
0x24: {  	[tilespmem:s9], [sflag:$0x1] =	stream.indirect_vreg.gather [hbm4b:s5+s2], $0x80, v4, vm0, $0xb8;
	[tilespmem:$0xC080] =	vst v63  }
0x25: {  	_ = 	snop  }
0x26: {  	[tilespmem:s10], [sflag:$0x1] =	stream.indirect_vreg.gather [hbm4b:s3+s2], $0x80, v3, vm0, $0xb8;
	[tilespmem:$0xC080] =	vst v63  }
0x27: {  	_ = 	snop  }
0x28: {  	[tilespmem:s11], [sflag:$0x1] =	stream.indirect_vreg.gather [hbm4b:s4+s2], $0x80, v3, vm0, $0xb8;
	[tilespmem:$0xC080] =	vst v63  }
0x29: {  	_ = 	snop  }
0x2a: {  	[tilespmem:s12], [sflag:$0x1] =	stream.indirect_vreg.gather [hbm4b:s5+s2], $0x80, v3, vm0, $0xb8;
	[tilespmem:$0xC080] =	vst v63  }
0x2b: {  	v3 =	vld [tilespmem:$0x10];
	_ =	sdelay $0x4  }
0x2c: {  	v61 =	vshrl.u32 v3, $0x3  }
0x2d: {  	v4 =	vmul.u32 $0x30, v61  }
0x2e: {  	v3 =	vand.u32 $0x7, v3  }
0x2f: {  	v3 =	vor.u32 v3, v4  }
0x30: {  	v4 =	vperm.xlane v3, v0;
	_ =	sdelay $0x1  }
0x31: {  	v4 =	vadd.s32 v1, v4;
	_ =	sdelay $0x3  }
0x32: {  	v3 =	vperm.xlane v3, v2  }
0x33: {  	[tilespmem:s13], [sflag:$0x1] =	stream.indirect_vreg.gather [hbm4b:s3+s2], $0x80, v4, vm0, $0xb8;
	[tilespmem:$0xC080] =	vst v63  }
0x34: {  	v3 =	vadd.s32 v1, v3  }
0x35: {  	[tilespmem:s14], [sflag:$0x1] =	stream.indirect_vreg.gather [hbm4b:s4+s2], $0x80, v4, vm0, $0xb8;
	[tilespmem:$0xC080] =	vst v63  }
0x36: {  	_ = 	snop  }
0x37: {  	[tilespmem:s15], [sflag:$0x1] =	stream.indirect_vreg.gather [hbm4b:s5+s2], $0x80, v4, vm0, $0xb8;
	[tilespmem:$0xC080] =	vst v63  }
0x38: {  	_ = 	snop  }
0x39: {  	[tilespmem:s16], [sflag:$0x1] =	stream.indirect_vreg.gather [hbm4b:s3+s2], $0x80, v3, vm0, $0xb8;
	[tilespmem:$0xC080] =	vst v63  }
0x3a: {  	_ = 	snop  }
0x3b: {  	[tilespmem:s17], [sflag:$0x1] =	stream.indirect_vreg.gather [hbm4b:s4+s2], $0x80, v3, vm0, $0xb8;
	[tilespmem:$0xC080] =	vst v63  }
0x3c: {  	_ = 	snop  }
0x3d: {  	[tilespmem:s18], [sflag:$0x1] =	stream.indirect_vreg.gather [hbm4b:s5+s2], $0x80, v3, vm0, $0xb8;
	[tilespmem:$0xC080] =	vst v63  }
0x3e: {  	v3 =	vld [tilespmem:$0x20];
	_ =	sdelay $0x4  }
0x3f: {  	v62 =	vshrl.u32 v3, $0x3  }
0x40: {  	v4 =	vmul.u32 $0x30, v62  }
0x41: {  	v3 =	vand.u32 $0x7, v3  }
0x42: {  	v3 =	vor.u32 v3, v4  }
0x43: {  	v4 =	vperm.xlane v3, v0;
	_ =	sdelay $0x1  }
0x44: {  	v4 =	vadd.s32 v1, v4;
	_ =	sdelay $0x3  }
0x45: {  	v3 =	vperm.xlane v3, v2  }
0x46: {  	[tilespmem:s19], [sflag:$0x1] =	stream.indirect_vreg.gather [hbm4b:s3+s2], $0x80, v4, vm0, $0xb8;
	[tilespmem:$0xC080] =	vst v63  }
0x47: {  	v3 =	vadd.s32 v1, v3  }
0x48: {  	[tilespmem:s20], [sflag:$0x1] =	stream.indirect_vreg.gather [hbm4b:s4+s2], $0x80, v4, vm0, $0xb8;
	[tilespmem:$0xC080] =	vst v63  }
0x49: {  	_ = 	snop  }
0x4a: {  	[tilespmem:s21], [sflag:$0x1] =	stream.indirect_vreg.gather [hbm4b:s5+s2], $0x80, v4, vm0, $0xb8;
	[tilespmem:$0xC080] =	vst v63  }
0x4b: {  	_ = 	snop  }
0x4c: {  	[tilespmem:s22], [sflag:$0x1] =	stream.indirect_vreg.gather [hbm4b:s3+s2], $0x80, v3, vm0, $0xb8;
	[tilespmem:$0xC080] =	vst v63  }
0x4d: {  	_ = 	snop  }
0x4e: {  	[tilespmem:s23], [sflag:$0x1] =	stream.indirect_vreg.gather [hbm4b:s4+s2], $0x80, v3, vm0, $0xb8;
	[tilespmem:$0xC080] =	vst v63  }
0x4f: {  	_ = 	snop  }
0x50: {  	[tilespmem:s24], [sflag:$0x1] =	stream.indirect_vreg.gather [hbm4b:s5+s2], $0x80, v3, vm0, $0xb8;
	[tilespmem:$0xC080] =	vst v63  }
0x51: {  	v3 =	vld [tilespmem:$0x30];
	_ =	sdelay $0x4  }
0x52: {  	v63 =	vshrl.u32 v3, $0x3  }
0x53: {  	v4 =	vmul.u32 $0x30, v63  }
0x54: {  	v3 =	vand.u32 $0x7, v3  }
0x55: {  	v3 =	vor.u32 v3, v4  }
0x56: {  	v4 =	vperm.xlane v3, v0;
	_ =	sdelay $0x1  }
0x57: {  	v4 =	vadd.s32 v1, v4;
	_ =	sdelay $0x3  }
0x58: {  	v3 =	vperm.xlane v3, v2  }
0x59: {  	[tilespmem:s25], [sflag:$0x1] =	stream.indirect_vreg.gather [hbm4b:s3+s2], $0x80, v4, vm0, $0xb8;
	[tilespmem:$0xC080] =	vst v63  }
0x5a: {  	v3 =	vadd.s32 v1, v3  }
0x5b: {  	[tilespmem:s26], [sflag:$0x1] =	stream.indirect_vreg.gather [hbm4b:s4+s2], $0x80, v4, vm0, $0xb8;
	[tilespmem:$0xC080] =	vst v63  }
0x5c: {  	_ = 	snop  }
0x5d: {  	[tilespmem:s28], [sflag:$0x1] =	stream.indirect_vreg.gather [hbm4b:s5+s2], $0x80, v4, vm0, $0xb8;
	[tilespmem:$0xC080] =	vst v63  }
0x5e: {  	_ = 	snop  }
0x5f: {  	[tilespmem:s29], [sflag:$0x1] =	stream.indirect_vreg.gather [hbm4b:s3+s2], $0x80, v3, vm0, $0xb8;
	[tilespmem:$0xC080] =	vst v63  }
0x60: {  	_ = 	snop  }
0x61: {  	[tilespmem:s30], [sflag:$0x1] =	stream.indirect_vreg.gather [hbm4b:s4+s2], $0x80, v3, vm0, $0xb8;
	[tilespmem:$0xC080] =	vst v63  }
0x62: {  	_ = 	snop  }
0x63: {  	[tilespmem:s31], [sflag:$0x1] =	stream.indirect_vreg.gather [hbm4b:s5+s2], $0x80, v3, vm0, $0xb8;
	[tilespmem:$0xC080] =	vst v63  }
0x64: {  	_ =	swait.ge [sflag:s0], $0xC000  }
0x65: {  	p0 =	sne.s32 s6, $0x1;
	[sflag:s0] =	ssyncset.done $0x0  }
.Ltmp0:
0x66: {  	s1 =	rddreg [dreg:$0x4];
	[sflag:s0] =	ssyncadd.s32 $0xFFFF4000;
	(pc) =	sbr.rel @p0 .LBB2_1-.Ltmp0, $4  }
0x67: {  	[hbm4b:s1+s2] =	stream.linear.scatter [tilespmem:s8], [sflag:$0x2], $0xC000, $0x38;
	[tilespmem:$0xC080] =	vst v63  }
0x68: {  	_ =	swait.ge [sflag:s7], $0xC000  }
0x69: {  	[sflag:s7] =	ssyncset.done $0x0  }
0x6a: {  	s6 =	sadd.s32 $0xFFFFFFFF, s6;
	[sflag:s7] =	ssyncadd.s32 $0xFFFF4000  }
0x6b: {  	_ =	sfence.sel $0x180000  }
0x6c: {  	[bflag:$0x0] =	sbarrier.arrive $0xFFFF  }
0x6d: {  	_ =	strace $0x9000004A  }
0x6e: {  	s0 =	stileid.u32;
	[bflag:$0x2] =	sbarrier.arrive $0xFFFF  }
0x6f: {  	p0 =	sne.s32 s0, $0x0;
	s0 =	rddreg [dreg:$0x2]  }
0x70: {  	s0 =	sadd.s32 @!p0 $0x100000, s0  }
0x71: {  	[sflag:s0] =	ssyncadd.tile.s32 @!p0 $0x1;
	_ =	shalt  }
.Lfunc_end2:
_tile_overlayer_lowered:
.L_overlay_start_2:
0x72: {  	(tag) =	ssettag $0x2  }
0x73: {  	s0 =	rddreg [dreg:$0x0];
	s2 =	stileid.u32  }
0x74: {  	s1 =	rddreg [dreg:$0x1];
	p0 =	sne.s32 s2, $0x0  }
0x75: {  	s3 =	rddreg [dreg:$0x2];
	[bflag:$0x3] =	sbarrier.arrive $0xFFFF;
	s2 =	simm.s32 @!p0 $0x1C02  }
0x76: {  	[timem:s3], [sflag:s2] =	dma.local @!p0 [hbm:s0], s1  }
0x77: {  	s0 =	simm.s32 @!p0 $0x2  }
0x78: {  	_ =	swait.ge @!p0 [sflag:s0], s1  }
0x79: {  	s1 =	ssub.s32 @!p0 $0x0, s1;
	[sflag:s0] =	ssyncset.done @!p0 $0x0  }
0x7a: {  	[sflag:s0] =	ssyncadd.s32 @!p0 s1  }
0x7b: {  	[bflag:$0x3] =	sbarrier.arrive $0xFFFF  }
0x7c: {  	_ =	shalt  }

</sc_bundles>
